<compile_context>
chip_gen: v7x
topology: tpu7x:2x2x1
jax: 0.10.2.dev20260603
libtpu: 0.0.44.dev20260713+nightly
codegen_flags: <defaults>
</compile_context>

<pallas_src>
import functools

import jax
import jax.numpy as jnp
from jax import lax
from jax.experimental import pallas as pl
from jax.experimental.pallas import tpu as pltpu
from jax.experimental.pallas import tpu_sc as plsc

N = 10000
D = 128
E = 320000

NC = 2
NS = 16
NW = NC * NS
CH = 128
BCH = 32
NPAD = 10240
EPAD = 327680
NCHT = EPAD // CH
N0 = 80
N1 = 80
DEGC = NCHT // NW
RPW = NPAD // NS

R = 640
G = NPAD // R
EPS = 1e-5



_sc_cache = {}


def _zero_fill(ref, rows, cols):
    zv = jnp.zeros((16,), jnp.float32)

    def body(i, _):
        for k in range(cols // 16):
            ref[i, pl.ds(k * 16, 16)] = zv
        return 0

    lax.fori_loop(0, rows, body, 0)


def _get_deg_call():
    if "deg" in _sc_cache:
        return _sc_cache["deg"]
    mesh = plsc.VectorSubcoreMesh(core_axis_name="c", subcore_axis_name="s")

    @functools.partial(
        pl.kernel,
        mesh=mesh,
        out_type=jax.ShapeDtypeStruct((NW, NPAD // 16, 16), jnp.float32),
        scratch_types=[
            pltpu.VMEM((DEGC, CH), jnp.int32),
            pltpu.VMEM((NPAD // 16, 16), jnp.float32),
        ],
        compiler_params=pltpu.CompilerParams(needs_layout_passes=False),
    )
    def deg_kernel(dst_hbm, out_hbm, idx_v, hist):
        c = lax.axis_index("c")
        s = lax.axis_index("s")
        wid = s * NC + c

        zv = jnp.zeros((16,), jnp.float32)

        def zero(i, _):
            hist[i, :] = zv
            return 0

        lax.fori_loop(0, NPAD // 16, zero, 0)

        pltpu.sync_copy(dst_hbm.at[pl.ds(wid * DEGC, DEGC)], idx_v)

        ones16 = jnp.full((16,), 1.0, jnp.float32)

        def body(j, _):
            def inner(k, _):
                idx = idx_v[j, pl.ds(k * 16, 16)]
                plsc.addupdate_scatter(
                    hist, [idx >> 4, idx & 15], ones16)
                return 0

            lax.fori_loop(0, CH // 16, inner, 0)
            return 0

        lax.fori_loop(0, DEGC, body, 0)

        pltpu.sync_copy(hist, out_hbm.at[wid])

    _sc_cache["deg"] = deg_kernel
    return deg_kernel


def _get_edge_call():
    if "edge" in _sc_cache:
        return _sc_cache["edge"]
    mesh = plsc.VectorSubcoreMesh(core_axis_name="c", subcore_axis_name="s")

    @functools.partial(
        pl.kernel,
        mesh=mesh,
        out_type=jax.ShapeDtypeStruct((NC, NPAD, D), jnp.float32),
        scratch_types=[
            pltpu.VMEM((BCH, CH), jnp.int32),
            pltpu.VMEM((BCH, CH), jnp.int32),
            pltpu.VMEM((CH, D), jnp.float32),
            pltpu.VMEM((CH, D), jnp.float32),
            pltpu.VMEM_SHARED((NPAD, D), jnp.float32),
            pltpu.SemaphoreType.DMA,
            pltpu.SemaphoreType.DMA,
            pltpu.SemaphoreType.DMA,
            pltpu.SemaphoreType.DMA,
        ],
    )
    def edge_kernel(u_hbm, src_hbm, dst_hbm, out_hbm,
                    src_v, dst_v, r0, r1, acc_sh, sg0, sg1, ss0, ss1):
        c = lax.axis_index("c")
        s = lax.axis_index("s")
        base = (1 - c) * (s * N0) + c * (NS * N0 + s * N1)
        nblk = (1 - c) * (N0 // BCH) + c * (N1 // BCH)

        _zero_fill(r0, CH, D)

        for k in range(RPW // CH):
            pltpu.sync_copy(r0, acc_sh.at[pl.ds(s * RPW + k * CH, CH)])
        plsc.subcore_barrier()

        def blk_body(blk, _):
            cb = base + blk * BCH
            pltpu.sync_copy(src_hbm.at[pl.ds(cb, BCH)], src_v)
            pltpu.sync_copy(dst_hbm.at[pl.ds(cb, BCH)], dst_v)

            def body(t, _):
                j = 2 * t
                d0 = pltpu.async_copy(u_hbm.at[src_v.at[j]], r0, sg0)
                d1 = pltpu.async_copy(u_hbm.at[src_v.at[j + 1]], r1, sg1)
                d0.wait()
                pltpu.sync_copy(r0, acc_sh.at[dst_v.at[j]], add=True)
                d1.wait()
                pltpu.sync_copy(r1, acc_sh.at[dst_v.at[j + 1]], add=True)
                return 0

            lax.fori_loop(0, BCH // 2, body, 0)
            return 0

        lax.fori_loop(0, nblk, blk_body, 0)
        plsc.subcore_barrier()

        pltpu.sync_copy(
            acc_sh.at[pl.ds(s * RPW, RPW)],
            out_hbm.at[c, pl.ds(s * RPW, RPW)],
        )

    _sc_cache["edge"] = edge_kernel
    return edge_kernel




def _k1_body(degp_ref, x_ref, w_ref, u_ref, dinv_ref):
    deg = jnp.sum(degp_ref[...], axis=0) + 1.0
    dinv = lax.rsqrt(deg)
    h = jnp.dot(x_ref[...], w_ref[...], preferred_element_type=jnp.float32)
    u_ref[...] = h * dinv[:, None]
    dinv_ref[...] = dinv[:, None]


_k1_call = pl.pallas_call(
    _k1_body,
    grid=(G,),
    in_specs=[
        pl.BlockSpec((NW, R), lambda i: (0, i)),
        pl.BlockSpec((R, D), lambda i: (i, 0)),
        pl.BlockSpec((D, D), lambda i: (0, 0)),
    ],
    out_specs=[
        pl.BlockSpec((R, D), lambda i: (i, 0)),
        pl.BlockSpec((R, 1), lambda i: (i, 0)),
    ],
    out_shape=[
        jax.ShapeDtypeStruct((NPAD, D), jnp.float32),
        jax.ShapeDtypeStruct((NPAD, 1), jnp.float32),
    ],
)


def _bn_relu(v, stats, g, be, rows):
    mean = stats[0:1] * (1.0 / N)
    var = stats[1:2] * (1.0 / N) - mean * mean
    inv = lax.rsqrt(var + EPS)
    y = jnp.maximum((v - mean) * (inv * g) + be, 0.0)
    return jnp.where(rows < N, y, 0.0)


def _combine_phase(i, sacc_ref, u_ref, dinv_ref, b_ref, v_scr, st_scr):
    t = sacc_ref[0] + sacc_ref[1] + u_ref[...]
    v = t * dinv_ref[...] + b_ref[...]
    rows = i * R + lax.broadcasted_iota(jnp.int32, (R, 1), 0)
    vm = jnp.where(rows < N, v, 0.0)
    v_scr[pl.ds(i * R, R), :] = vm
    blk = jnp.concatenate(
        [jnp.sum(vm, axis=0, keepdims=True),
         jnp.sum(vm * vm, axis=0, keepdims=True)], axis=0)

    @pl.when(i == 0)
    def _():
        st_scr[...] = blk

    @pl.when(i > 0)
    def _():
        st_scr[...] += blk


def _mid_body(sacc_ref, u_ref, dinv_ref, b_ref, g_ref, be_ref, w_ref,
              u2_ref, v_scr, st_scr):
    i = pl.program_id(0)

    @pl.when(i < G)
    def _():
        _combine_phase(i, sacc_ref, u_ref, dinv_ref, b_ref, v_scr, st_scr)

    @pl.when(i >= G)
    def _():
        k = i - G
        vm = v_scr[pl.ds(k * R, R), :]
        rows = k * R + lax.broadcasted_iota(jnp.int32, (R, 1), 0)
        y = _bn_relu(vm, st_scr[...], g_ref[...], be_ref[...], rows)
        u2_ref[...] = jnp.dot(
            y, w_ref[...], preferred_element_type=jnp.float32
        ) * dinv_ref[...]


def _ph1(i):
    return jnp.where(i < G, i, G - 1)


def _ph12(i):
    return jnp.where(i < G, i, i - G)


_mid_call = pl.pallas_call(
    _mid_body,
    grid=(2 * G,),
    in_specs=[
        pl.BlockSpec((NC, R, D), lambda i: (0, _ph1(i), 0)),
        pl.BlockSpec((R, D), lambda i: (_ph1(i), 0)),
        pl.BlockSpec((R, 1), lambda i: (_ph12(i), 0)),
        pl.BlockSpec((1, D), lambda i: (0, 0)),
        pl.BlockSpec((1, D), lambda i: (0, 0)),
        pl.BlockSpec((1, D), lambda i: (0, 0)),
        pl.BlockSpec((D, D), lambda i: (0, 0)),
    ],
    out_specs=pl.BlockSpec((R, D), lambda i: (jnp.where(i < G, 0, i - G), 0)),
    out_shape=jax.ShapeDtypeStruct((NPAD, D), jnp.float32),
    scratch_shapes=[
        pltpu.VMEM((NPAD, D), jnp.float32),
        pltpu.VMEM((2, D), jnp.float32),
    ],
)


def _fin_body(sacc_ref, u_ref, dinv_ref, b_ref, g_ref, be_ref,
              out_ref, v_scr, st_scr):
    i = pl.program_id(0)

    @pl.when(i < G)
    def _():
        _combine_phase(i, sacc_ref, u_ref, dinv_ref, b_ref, v_scr, st_scr)

    @pl.when(i >= G)
    def _():
        k = i - G
        vm = v_scr[pl.ds(k * R, R), :]
        rows = k * R + lax.broadcasted_iota(jnp.int32, (R, 1), 0)
        out_ref[...] = _bn_relu(
            vm, st_scr[...], g_ref[...], be_ref[...], rows)


_fin_call = pl.pallas_call(
    _fin_body,
    grid=(2 * G,),
    in_specs=[
        pl.BlockSpec((NC, R, D), lambda i: (0, _ph1(i), 0)),
        pl.BlockSpec((R, D), lambda i: (_ph1(i), 0)),
        pl.BlockSpec((R, 1), lambda i: (_ph12(i), 0)),
        pl.BlockSpec((1, D), lambda i: (0, 0)),
        pl.BlockSpec((1, D), lambda i: (0, 0)),
        pl.BlockSpec((1, D), lambda i: (0, 0)),
    ],
    out_specs=pl.BlockSpec((R, D), lambda i: (jnp.where(i < G, 0, i - G), 0)),
    out_shape=jax.ShapeDtypeStruct((NPAD, D), jnp.float32),
    scratch_shapes=[
        pltpu.VMEM((NPAD, D), jnp.float32),
        pltpu.VMEM((2, D), jnp.float32),
    ],
)




def kernel(x, edge_index, W1, b1, gamma1, beta1, W2, b2, gamma2, beta2):
    xp = jnp.zeros((NPAD, D), jnp.float32).at[:N].set(x)
    ei = edge_index.astype(jnp.int32)
    pad = jnp.full((2, EPAD - E), NPAD - 1, jnp.int32)
    eip = jnp.concatenate([ei, pad], axis=1)
    srcp = eip[0].reshape(NCHT, CH)
    dstp = eip[1].reshape(NCHT, CH)

    degp = _get_deg_call()(dstp).reshape(NW, NPAD)
    u1, dinv = _k1_call(degp, xp, W1)

    edge_call = _get_edge_call()
    sacc1 = edge_call(u1, srcp, dstp)
    u2 = _mid_call(sacc1, u1, dinv, b1.reshape(1, D),
                   gamma1.reshape(1, D), beta1.reshape(1, D), W2)

    sacc2 = edge_call(u2, srcp, dstp)
    out = _fin_call(sacc2, u2, dinv, b2.reshape(1, D),
                    gamma2.reshape(1, D), beta2.reshape(1, D))
    return out[:N]

# --- scband reference (transcript-rebuilt; emitter-appended) ---
"""Pipeline reference for scband-encoder-19542101197188 (READ-ONLY COPY).

The authoritative reference and input builder live on the scoring server;
editing this copy changes nothing except your own understanding.
"""

import jax, jax.numpy as jnp
import numpy as np

N = 10000
E = 320000
D = 128


def _xavier(key, fan_in, fan_out):
    s = float(np.sqrt(6.0 / (fan_in + fan_out)))
    return jax.random.uniform(key, (fan_in, fan_out), minval=-s, maxval=s, dtype=jnp.float32)


def setup_inputs(seed: int = 0) -> dict:
    key = jax.random.key(seed)
    ks = jax.random.split(key, 6)
    x = jax.random.normal(ks[0], (N, D), dtype=jnp.float32)
    edge_index = jax.random.randint(ks[1], (2, E), 0, N)
    W1 = _xavier(ks[2], D, D)
    b1 = jnp.zeros((D,), dtype=jnp.float32)
    gamma1 = jnp.ones((D,), dtype=jnp.float32)
    beta1 = jnp.zeros((D,), dtype=jnp.float32)
    W2 = _xavier(ks[3], D, D)
    b2 = jnp.zeros((D,), dtype=jnp.float32)
    gamma2 = jnp.ones((D,), dtype=jnp.float32)
    beta2 = jnp.zeros((D,), dtype=jnp.float32)
    return {"x": x, "edge_index": edge_index, "W1": W1, "b1": b1, "gamma1": gamma1, "beta1": beta1, "W2": W2, "b2": b2, "gamma2": gamma2, "beta2": beta2}


def _gcn_conv(x, edge_index, W, b):
    # PyG GCNConv: normalize=True, add_self_loops=True
    n = x.shape[0]
    src = edge_index[0]
    dst = edge_index[1]
    loop = jnp.arange(n, dtype=src.dtype)
    src_f = jnp.concatenate([src, loop])
    dst_f = jnp.concatenate([dst, loop])
    ew = jnp.ones(src_f.shape[0], dtype=x.dtype)
    deg = jnp.zeros((n,), dtype=x.dtype).at[dst_f].add(ew)
    dinv = jnp.where(deg > 0, jax.lax.rsqrt(deg), 0.0)
    norm = dinv[src_f] * ew * dinv[dst_f]
    h = x @ W
    msg = h[src_f] * norm[:, None]
    out = jnp.zeros((n, h.shape[1]), dtype=x.dtype).at[dst_f].add(msg)
    return out + b


def _batchnorm_train(x, gamma, beta, eps=1e-5):
    mean = jnp.mean(x, axis=0)
    var = jnp.mean((x - mean) ** 2, axis=0)
    return (x - mean) * jax.lax.rsqrt(var + eps) * gamma + beta


def reference(x, edge_index, W1, b1, gamma1, beta1, W2, b2, gamma2, beta2):
    h = _gcn_conv(x, edge_index, W1, b1)
    h = _batchnorm_train(h, gamma1, beta1)
    h = jax.nn.relu(h)
    # drop_ratio=0 -> dropout is identity
    h = _gcn_conv(h, edge_index, W2, b2)
    h = _batchnorm_train(h, gamma2, beta2)
    h = jax.nn.relu(h)
    return h

if __name__ == "__main__":
    import jax
    _d = setup_inputs()
    print(jax.jit(kernel)(*tuple(_d.values())))

</pallas_src>

<mosaic_0001>
#map = affine_map<(d0, d1) -> (0, 0)>
#map1 = affine_map<(d0, d1) -> (0, 0, 0)>
module attributes {stable_mosaic.version = 14 : i64} {
  func.func @edge_kernel(%arg0: i32, %arg1: i32, %arg2: memref<10240x128xf32, #tpu.memory_space<hbm>>, %arg3: memref<2560x128xi32, #tpu.memory_space<hbm>>, %arg4: memref<2560x128xi32, #tpu.memory_space<hbm>>, %arg5: memref<2x10240x128xf32, #tpu.memory_space<hbm>>, %arg6: memref<32x128xi32, #tpu.memory_space<vmem>>, %arg7: memref<32x128xi32, #tpu.memory_space<vmem>>, %arg8: memref<128x128xf32, #tpu.memory_space<vmem>>, %arg9: memref<128x128xf32, #tpu.memory_space<vmem>>, %arg10: memref<10240x128xf32, #tpu.memory_space<vmem_shared>>, %arg11: memref<!tpu.dma_semaphore, #tpu.memory_space<semaphore_mem>>, %arg12: memref<!tpu.dma_semaphore, #tpu.memory_space<semaphore_mem>>, %arg13: memref<!tpu.dma_semaphore, #tpu.memory_space<semaphore_mem>>, %arg14: memref<!tpu.dma_semaphore, #tpu.memory_space<semaphore_mem>>) attributes {dimension_semantics = [#tpu.dimension_semantics<core_parallel>, #tpu.dimension_semantics<subcore_parallel>], iteration_bounds = array<i64: 2, 16>, scalar_prefetch = 0 : i64, scratch_operands = 9 : i64, tpu.core_type = #tpu.core_type<sc_vector_subcore>, window_params = [{transform_indices = #map}, {transform_indices = #map}, {transform_indices = #map}, {transform_indices = #map1}]} {
    %sub3A = arith.constant 1 : i32
    %sub3A_0 = arith.subi %sub3A, %arg0 : i32
    %mul3A = arith.constant 80 : i32
    %mul3A_1 = arith.muli %arg1, %mul3A : i32
    %mul3A_2 = arith.muli %sub3A_0, %mul3A_1 : i32
    %mul3A_3 = arith.constant 80 : i32
    %mul3A_4 = arith.muli %arg1, %mul3A_3 : i32
    %add3A = arith.constant 1280 : i32
    %add3A_5 = arith.addi %add3A, %mul3A_4 : i32
    %mul3A_6 = arith.muli %arg0, %add3A_5 : i32
    %add3A_7 = arith.addi %mul3A_2, %mul3A_6 : i32
    %sub3A_8 = arith.constant 1 : i32
    %sub3A_9 = arith.subi %sub3A_8, %arg0 : i32
    %mul3A_10 = arith.constant 2 : i32
    %mul3A_11 = arith.muli %sub3A_9, %mul3A_10 : i32
    %mul3A_12 = arith.constant 2 : i32
    %mul3A_13 = arith.muli %arg0, %mul3A_12 : i32
    %add3A_14 = arith.addi %mul3A_11, %mul3A_13 : i32
    %broadcast_in_dim3A = arith.constant 0.000000e+00 : f32
    %broadcast_in_dim3A_15 = vector.broadcast %broadcast_in_dim3A : f32 to vector<16xf32>
    %scan3A = arith.constant 0 : i32
    %scan3A_16 = arith.constant 0 : i32
    %scan3A_17 = arith.constant 128 : i32
    %scan3A_18 = arith.addi %scan3A_16, %scan3A_17 : i32
    %scan3A_19 = arith.constant 1 : i32
    %scan3A_20 = scf.for %scan3A_58 = %scan3A_16 to %scan3A_18 step %scan3A_19 iter_args(%scan3A_59 = %scan3A) -> (i32)  : i32 {
      %swap3A = arith.index_cast %scan3A_58 : i32 to index
      %swap3A_60 = arith.constant 0 : index
      %swap3A_61 = tpu.vector_load %arg8[%swap3A, %swap3A_60] {strides = array<i32>} : memref<128x128xf32, #tpu.memory_space<vmem>>, vector<1x16xf32>,
      %swap3A_62 = vector.shape_cast %swap3A_61 : vector<1x16xf32> to vector<16xf32>
      %swap3A_63 = vector.shape_cast %broadcast_in_dim3A_15 : vector<16xf32> to vector<1x16xf32>
      tpu.vector_store %arg8[%swap3A, %swap3A_60], %swap3A_63 {strides = array<i32>} : memref<128x128xf32, #tpu.memory_space<vmem>>, vector<1x16xf32>,
      %swap3A_64 = arith.index_cast %scan3A_58 : i32 to index
      %swap3A_65 = arith.constant 16 : index
      %swap3A_66 = tpu.vector_load %arg8[%swap3A_64, %swap3A_65] {strides = array<i32>} : memref<128x128xf32, #tpu.memory_space<vmem>>, vector<1x16xf32>,
      %swap3A_67 = vector.shape_cast %swap3A_66 : vector<1x16xf32> to vector<16xf32>
      %swap3A_68 = vector.shape_cast %broadcast_in_dim3A_15 : vector<16xf32> to vector<1x16xf32>
      tpu.vector_store %arg8[%swap3A_64, %swap3A_65], %swap3A_68 {strides = array<i32>} : memref<128x128xf32, #tpu.memory_space<vmem>>, vector<1x16xf32>,
      %swap3A_69 = arith.index_cast %scan3A_58 : i32 to index
      %swap3A_70 = arith.constant 32 : index
      %swap3A_71 = tpu.vector_load %arg8[%swap3A_69, %swap3A_70] {strides = array<i32>} : memref<128x128xf32, #tpu.memory_space<vmem>>, vector<1x16xf32>,
      %swap3A_72 = vector.shape_cast %swap3A_71 : vector<1x16xf32> to vector<16xf32>
      %swap3A_73 = vector.shape_cast %broadcast_in_dim3A_15 : vector<16xf32> to vector<1x16xf32>
      tpu.vector_store %arg8[%swap3A_69, %swap3A_70], %swap3A_73 {strides = array<i32>} : memref<128x128xf32, #tpu.memory_space<vmem>>, vector<1x16xf32>,
      %swap3A_74 = arith.index_cast %scan3A_58 : i32 to index
      %swap3A_75 = arith.constant 48 : index
      %swap3A_76 = tpu.vector_load %arg8[%swap3A_74, %swap3A_75] {strides = array<i32>} : memref<128x128xf32, #tpu.memory_space<vmem>>, vector<1x16xf32>,
      %swap3A_77 = vector.shape_cast %swap3A_76 : vector<1x16xf32> to vector<16xf32>
      %swap3A_78 = vector.shape_cast %broadcast_in_dim3A_15 : vector<16xf32> to vector<1x16xf32>
      tpu.vector_store %arg8[%swap3A_74, %swap3A_75], %swap3A_78 {strides = array<i32>} : memref<128x128xf32, #tpu.memory_space<vmem>>, vector<1x16xf32>,
      %swap3A_79 = arith.index_cast %scan3A_58 : i32 to index
      %swap3A_80 = arith.constant 64 : index
      %swap3A_81 = tpu.vector_load %arg8[%swap3A_79, %swap3A_80] {strides = array<i32>} : memref<128x128xf32, #tpu.memory_space<vmem>>, vector<1x16xf32>,
      %swap3A_82 = vector.shape_cast %swap3A_81 : vector<1x16xf32> to vector<16xf32>
      %swap3A_83 = vector.shape_cast %broadcast_in_dim3A_15 : vector<16xf32> to vector<1x16xf32>
      tpu.vector_store %arg8[%swap3A_79, %swap3A_80], %swap3A_83 {strides = array<i32>} : memref<128x128xf32, #tpu.memory_space<vmem>>, vector<1x16xf32>,
      %swap3A_84 = arith.index_cast %scan3A_58 : i32 to index
      %swap3A_85 = arith.constant 80 : index
      %swap3A_86 = tpu.vector_load %arg8[%swap3A_84, %swap3A_85] {strides = array<i32>} : memref<128x128xf32, #tpu.memory_space<vmem>>, vector<1x16xf32>,
      %swap3A_87 = vector.shape_cast %swap3A_86 : vector<1x16xf32> to vector<16xf32>
      %swap3A_88 = vector.shape_cast %broadcast_in_dim3A_15 : vector<16xf32> to vector<1x16xf32>
      tpu.vector_store %arg8[%swap3A_84, %swap3A_85], %swap3A_88 {strides = array<i32>} : memref<128x128xf32, #tpu.memory_space<vmem>>, vector<1x16xf32>,
      %swap3A_89 = arith.index_cast %scan3A_58 : i32 to index
      %swap3A_90 = arith.constant 96 : index
      %swap3A_91 = tpu.vector_load %arg8[%swap3A_89, %swap3A_90] {strides = array<i32>} : memref<128x128xf32, #tpu.memory_space<vmem>>, vector<1x16xf32>,
      %swap3A_92 = vector.shape_cast %swap3A_91 : vector<1x16xf32> to vector<16xf32>
      %swap3A_93 = vector.shape_cast %broadcast_in_dim3A_15 : vector<16xf32> to vector<1x16xf32>
      tpu.vector_store %arg8[%swap3A_89, %swap3A_90], %swap3A_93 {strides = array<i32>} : memref<128x128xf32, #tpu.memory_space<vmem>>, vector<1x16xf32>,
      %swap3A_94 = arith.index_cast %scan3A_58 : i32 to index
      %swap3A_95 = arith.constant 112 : index
      %swap3A_96 = tpu.vector_load %arg8[%swap3A_94, %swap3A_95] {strides = array<i32>} : memref<128x128xf32, #tpu.memory_space<vmem>>, vector<1x16xf32>,
      %swap3A_97 = vector.shape_cast %swap3A_96 : vector<1x16xf32> to vector<16xf32>
      %swap3A_98 = vector.shape_cast %broadcast_in_dim3A_15 : vector<16xf32> to vector<1x16xf32>
      tpu.vector_store %arg8[%swap3A_94, %swap3A_95], %swap3A_98 {strides = array<i32>} : memref<128x128xf32, #tpu.memory_space<vmem>>, vector<1x16xf32>,
      %scan3A_99 = arith.constant 0 : i32
      scf.yield %scan3A_99 : i32
    }
    %scan3A_21 = arith.constant 128 : i32
    %mul3A_22 = arith.constant 640 : i32
    %mul3A_23 = arith.muli %arg1, %mul3A_22 : i32
    %add3A_24 = arith.constant 0 : i32
    %add3A_25 = arith.addi %mul3A_23, %add3A_24 : i32
    "tpu.region"() ({
      %run_scoped3A = tpu.sem_alloc : memref<!tpu.dma_semaphore, #tpu.memory_space<semaphore_mem>>
      %dma_start3A = arith.constant 0 : i32
      %dma_start3A_58 = tpu.memref_slice %arg10[%add3A_25, %dma_start3A] : memref<10240x128xf32, #tpu.memory_space<vmem_shared>> -> memref<128x128xf32, #tpu.memory_space<vmem_shared>>
      %dma_start3A_59 = arith.constant 0 : i32
      %dma_start3A_60 = tpu.memref_slice %arg10[%add3A_25, %dma_start3A_59] : memref<10240x128xf32, #tpu.memory_space<vmem_shared>> -> memref<128x128xf32, #tpu.memory_space<vmem_shared>>
      tpu.enqueue_dma source(%arg8 : memref<128x128xf32, #tpu.memory_space<vmem>>) target(%dma_start3A_60 : memref<128x128xf32, #tpu.memory_space<vmem_shared>>) target_semaphore(%run_scoped3A : memref<!tpu.dma_semaphore, #tpu.memory_space<semaphore_mem>>)
      %dma_wait3A = arith.constant 0 : i32
      %dma_wait3A_61 = tpu.memref_slice %arg10[%add3A_25, %dma_wait3A] : memref<10240x128xf32, #tpu.memory_space<vmem_shared>> -> memref<128x128xf32, #tpu.memory_space<vmem_shared>>
      %dma_wait3A_62 = arith.constant 0 : i32
      %dma_wait3A_63 = tpu.memref_slice %arg10[%add3A_25, %dma_wait3A_62] : memref<10240x128xf32, #tpu.memory_space<vmem_shared>> -> memref<128x128xf32, #tpu.memory_space<vmem_shared>>
      tpu.wait_dma2 semaphore(%run_scoped3A : memref<!tpu.dma_semaphore, #tpu.memory_space<semaphore_mem>>) src(%arg8 : memref<128x128xf32, #tpu.memory_space<vmem>>) dst(%dma_wait3A_63 : memref<128x128xf32, #tpu.memory_space<vmem_shared>>)
      tpu.yield
    }) : () -> ()
    %mul3A_26 = arith.constant 640 : i32
    %mul3A_27 = arith.muli %arg1, %mul3A_26 : i32
    %add3A_28 = arith.constant 128 : i32
    %add3A_29 = arith.addi %mul3A_27, %add3A_28 : i32
    "tpu.region"() ({
      %run_scoped3A = tpu.sem_alloc : memref<!tpu.dma_semaphore, #tpu.memory_space<semaphore_mem>>
      %dma_start3A = arith.constant 0 : i32
      %dma_start3A_58 = tpu.memref_slice %arg10[%add3A_29, %dma_start3A] : memref<10240x128xf32, #tpu.memory_space<vmem_shared>> -> memref<128x128xf32, #tpu.memory_space<vmem_shared>>
      %dma_start3A_59 = arith.constant 0 : i32
      %dma_start3A_60 = tpu.memref_slice %arg10[%add3A_29, %dma_start3A_59] : memref<10240x128xf32, #tpu.memory_space<vmem_shared>> -> memref<128x128xf32, #tpu.memory_space<vmem_shared>>
      tpu.enqueue_dma source(%arg8 : memref<128x128xf32, #tpu.memory_space<vmem>>) target(%dma_start3A_60 : memref<128x128xf32, #tpu.memory_space<vmem_shared>>) target_semaphore(%run_scoped3A : memref<!tpu.dma_semaphore, #tpu.memory_space<semaphore_mem>>)
      %dma_wait3A = arith.constant 0 : i32
      %dma_wait3A_61 = tpu.memref_slice %arg10[%add3A_29, %dma_wait3A] : memref<10240x128xf32, #tpu.memory_space<vmem_shared>> -> memref<128x128xf32, #tpu.memory_space<vmem_shared>>
      %dma_wait3A_62 = arith.constant 0 : i32
      %dma_wait3A_63 = tpu.memref_slice %arg10[%add3A_29, %dma_wait3A_62] : memref<10240x128xf32, #tpu.memory_space<vmem_shared>> -> memref<128x128xf32, #tpu.memory_space<vmem_shared>>
      tpu.wait_dma2 semaphore(%run_scoped3A : memref<!tpu.dma_semaphore, #tpu.memory_space<semaphore_mem>>) src(%arg8 : memref<128x128xf32, #tpu.memory_space<vmem>>) dst(%dma_wait3A_63 : memref<128x128xf32, #tpu.memory_space<vmem_shared>>)
      tpu.yield
    }) : () -> ()
    %mul3A_30 = arith.constant 640 : i32
    %mul3A_31 = arith.muli %arg1, %mul3A_30 : i32
    %add3A_32 = arith.constant 256 : i32
    %add3A_33 = arith.addi %mul3A_31, %add3A_32 : i32
    "tpu.region"() ({
      %run_scoped3A = tpu.sem_alloc : memref<!tpu.dma_semaphore, #tpu.memory_space<semaphore_mem>>
      %dma_start3A = arith.constant 0 : i32
      %dma_start3A_58 = tpu.memref_slice %arg10[%add3A_33, %dma_start3A] : memref<10240x128xf32, #tpu.memory_space<vmem_shared>> -> memref<128x128xf32, #tpu.memory_space<vmem_shared>>
      %dma_start3A_59 = arith.constant 0 : i32
      %dma_start3A_60 = tpu.memref_slice %arg10[%add3A_33, %dma_start3A_59] : memref<10240x128xf32, #tpu.memory_space<vmem_shared>> -> memref<128x128xf32, #tpu.memory_space<vmem_shared>>
      tpu.enqueue_dma source(%arg8 : memref<128x128xf32, #tpu.memory_space<vmem>>) target(%dma_start3A_60 : memref<128x128xf32, #tpu.memory_space<vmem_shared>>) target_semaphore(%run_scoped3A : memref<!tpu.dma_semaphore, #tpu.memory_space<semaphore_mem>>)
      %dma_wait3A = arith.constant 0 : i32
      %dma_wait3A_61 = tpu.memref_slice %arg10[%add3A_33, %dma_wait3A] : memref<10240x128xf32, #tpu.memory_space<vmem_shared>> -> memref<128x128xf32, #tpu.memory_space<vmem_shared>>
      %dma_wait3A_62 = arith.constant 0 : i32
      %dma_wait3A_63 = tpu.memref_slice %arg10[%add3A_33, %dma_wait3A_62] : memref<10240x128xf32, #tpu.memory_space<vmem_shared>> -> memref<128x128xf32, #tpu.memory_space<vmem_shared>>
      tpu.wait_dma2 semaphore(%run_scoped3A : memref<!tpu.dma_semaphore, #tpu.memory_space<semaphore_mem>>) src(%arg8 : memref<128x128xf32, #tpu.memory_space<vmem>>) dst(%dma_wait3A_63 : memref<128x128xf32, #tpu.memory_space<vmem_shared>>)
      tpu.yield
    }) : () -> ()
    %mul3A_34 = arith.constant 640 : i32
    %mul3A_35 = arith.muli %arg1, %mul3A_34 : i32
    %add3A_36 = arith.constant 384 : i32
    %add3A_37 = arith.addi %mul3A_35, %add3A_36 : i32
    "tpu.region"() ({
      %run_scoped3A = tpu.sem_alloc : memref<!tpu.dma_semaphore, #tpu.memory_space<semaphore_mem>>
      %dma_start3A = arith.constant 0 : i32
      %dma_start3A_58 = tpu.memref_slice %arg10[%add3A_37, %dma_start3A] : memref<10240x128xf32, #tpu.memory_space<vmem_shared>> -> memref<128x128xf32, #tpu.memory_space<vmem_shared>>
      %dma_start3A_59 = arith.constant 0 : i32
      %dma_start3A_60 = tpu.memref_slice %arg10[%add3A_37, %dma_start3A_59] : memref<10240x128xf32, #tpu.memory_space<vmem_shared>> -> memref<128x128xf32, #tpu.memory_space<vmem_shared>>
      tpu.enqueue_dma source(%arg8 : memref<128x128xf32, #tpu.memory_space<vmem>>) target(%dma_start3A_60 : memref<128x128xf32, #tpu.memory_space<vmem_shared>>) target_semaphore(%run_scoped3A : memref<!tpu.dma_semaphore, #tpu.memory_space<semaphore_mem>>)
      %dma_wait3A = arith.constant 0 : i32
      %dma_wait3A_61 = tpu.memref_slice %arg10[%add3A_37, %dma_wait3A] : memref<10240x128xf32, #tpu.memory_space<vmem_shared>> -> memref<128x128xf32, #tpu.memory_space<vmem_shared>>
      %dma_wait3A_62 = arith.constant 0 : i32
      %dma_wait3A_63 = tpu.memref_slice %arg10[%add3A_37, %dma_wait3A_62] : memref<10240x128xf32, #tpu.memory_space<vmem_shared>> -> memref<128x128xf32, #tpu.memory_space<vmem_shared>>
      tpu.wait_dma2 semaphore(%run_scoped3A : memref<!tpu.dma_semaphore, #tpu.memory_space<semaphore_mem>>) src(%arg8 : memref<128x128xf32, #tpu.memory_space<vmem>>) dst(%dma_wait3A_63 : memref<128x128xf32, #tpu.memory_space<vmem_shared>>)
      tpu.yield
    }) : () -> ()
    %mul3A_38 = arith.constant 640 : i32
    %mul3A_39 = arith.muli %arg1, %mul3A_38 : i32
    %add3A_40 = arith.constant 512 : i32
    %add3A_41 = arith.addi %mul3A_39, %add3A_40 : i32
    "tpu.region"() ({
      %run_scoped3A = tpu.sem_alloc : memref<!tpu.dma_semaphore, #tpu.memory_space<semaphore_mem>>
      %dma_start3A = arith.constant 0 : i32
      %dma_start3A_58 = tpu.memref_slice %arg10[%add3A_41, %dma_start3A] : memref<10240x128xf32, #tpu.memory_space<vmem_shared>> -> memref<128x128xf32, #tpu.memory_space<vmem_shared>>
      %dma_start3A_59 = arith.constant 0 : i32
      %dma_start3A_60 = tpu.memref_slice %arg10[%add3A_41, %dma_start3A_59] : memref<10240x128xf32, #tpu.memory_space<vmem_shared>> -> memref<128x128xf32, #tpu.memory_space<vmem_shared>>
      tpu.enqueue_dma source(%arg8 : memref<128x128xf32, #tpu.memory_space<vmem>>) target(%dma_start3A_60 : memref<128x128xf32, #tpu.memory_space<vmem_shared>>) target_semaphore(%run_scoped3A : memref<!tpu.dma_semaphore, #tpu.memory_space<semaphore_mem>>)
      %dma_wait3A = arith.constant 0 : i32
      %dma_wait3A_61 = tpu.memref_slice %arg10[%add3A_41, %dma_wait3A] : memref<10240x128xf32, #tpu.memory_space<vmem_shared>> -> memref<128x128xf32, #tpu.memory_space<vmem_shared>>
      %dma_wait3A_62 = arith.constant 0 : i32
      %dma_wait3A_63 = tpu.memref_slice %arg10[%add3A_41, %dma_wait3A_62] : memref<10240x128xf32, #tpu.memory_space<vmem_shared>> -> memref<128x128xf32, #tpu.memory_space<vmem_shared>>
      tpu.wait_dma2 semaphore(%run_scoped3A : memref<!tpu.dma_semaphore, #tpu.memory_space<semaphore_mem>>) src(%arg8 : memref<128x128xf32, #tpu.memory_space<vmem>>) dst(%dma_wait3A_63 : memref<128x128xf32, #tpu.memory_space<vmem_shared>>)
      tpu.yield
    }) : () -> ()
    %barrier3A = arith.constant 0 : index
    tpu.barrier barrier_id(%barrier3A)
    %while3A = arith.constant 0 : i32
    %while3A_42 = arith.constant 0 : i32
    %while3A_43 = arith.subi %add3A_14, %while3A : i32
    %while3A_44 = arith.addi %while3A, %while3A_43 : i32
    %while3A_45 = arith.constant 1 : i32
    %while3A_46 = arith.divsi %while3A_43, %while3A_45 : i32
    %while3A_47 = arith.muli %while3A_46, %while3A_45 : i32
    %while3A_48 = arith.addi %while3A, %while3A_47 : i32
    %while3A_49 = arith.constant 1 : i32
    %while3A_50 = scf.for %while3A_58 = %while3A to %while3A_48 step %while3A_49 iter_args(%while3A_59 = %while3A_42) -> (i32)  : i32 {
      %mul3A_60 = arith.constant 32 : i32
      %mul3A_61 = arith.muli %while3A_58, %mul3A_60 : i32
      %add3A_62 = arith.addi %add3A_7, %mul3A_61 : i32
      "tpu.region"() ({
        %run_scoped3A = tpu.sem_alloc : memref<!tpu.dma_semaphore, #tpu.memory_space<semaphore_mem>>
        %dma_start3A = arith.constant 0 : i32
        %dma_start3A_71 = tpu.memref_slice %arg3[%add3A_62, %dma_start3A] : memref<2560x128xi32, #tpu.memory_space<hbm>> -> memref<32x128xi32, #tpu.memory_space<hbm>>
        %dma_start3A_72 = arith.constant 0 : i32
        %dma_start3A_73 = tpu.memref_slice %arg3[%add3A_62, %dma_start3A_72] : memref<2560x128xi32, #tpu.memory_space<hbm>> -> memref<32x128xi32, #tpu.memory_space<hbm>>
        tpu.enqueue_dma source(%dma_start3A_73 : memref<32x128xi32, #tpu.memory_space<hbm>>) target(%arg6 : memref<32x128xi32, #tpu.memory_space<vmem>>) target_semaphore(%run_scoped3A : memref<!tpu.dma_semaphore, #tpu.memory_space<semaphore_mem>>)
        %dma_wait3A = arith.constant 0 : i32
        %dma_wait3A_74 = tpu.memref_slice %arg3[%add3A_62, %dma_wait3A] : memref<2560x128xi32, #tpu.memory_space<hbm>> -> memref<32x128xi32, #tpu.memory_space<hbm>>
        %dma_wait3A_75 = arith.constant 0 : i32
        %dma_wait3A_76 = tpu.memref_slice %arg3[%add3A_62, %dma_wait3A_75] : memref<2560x128xi32, #tpu.memory_space<hbm>> -> memref<32x128xi32, #tpu.memory_space<hbm>>
        tpu.wait_dma2 semaphore(%run_scoped3A : memref<!tpu.dma_semaphore, #tpu.memory_space<semaphore_mem>>) src(%dma_wait3A_76 : memref<32x128xi32, #tpu.memory_space<hbm>>) dst(%arg6 : memref<32x128xi32, #tpu.memory_space<vmem>>)
        tpu.yield
      }) : () -> ()
      "tpu.region"() ({
        %run_scoped3A = tpu.sem_alloc : memref<!tpu.dma_semaphore, #tpu.memory_space<semaphore_mem>>
        %dma_start3A = arith.constant 0 : i32
        %dma_start3A_71 = tpu.memref_slice %arg4[%add3A_62, %dma_start3A] : memref<2560x128xi32, #tpu.memory_space<hbm>> -> memref<32x128xi32, #tpu.memory_space<hbm>>
        %dma_start3A_72 = arith.constant 0 : i32
        %dma_start3A_73 = tpu.memref_slice %arg4[%add3A_62, %dma_start3A_72] : memref<2560x128xi32, #tpu.memory_space<hbm>> -> memref<32x128xi32, #tpu.memory_space<hbm>>
        tpu.enqueue_dma source(%dma_start3A_73 : memref<32x128xi32, #tpu.memory_space<hbm>>) target(%arg7 : memref<32x128xi32, #tpu.memory_space<vmem>>) target_semaphore(%run_scoped3A : memref<!tpu.dma_semaphore, #tpu.memory_space<semaphore_mem>>)
        %dma_wait3A = arith.constant 0 : i32
        %dma_wait3A_74 = tpu.memref_slice %arg4[%add3A_62, %dma_wait3A] : memref<2560x128xi32, #tpu.memory_space<hbm>> -> memref<32x128xi32, #tpu.memory_space<hbm>>
        %dma_wait3A_75 = arith.constant 0 : i32
        %dma_wait3A_76 = tpu.memref_slice %arg4[%add3A_62, %dma_wait3A_75] : memref<2560x128xi32, #tpu.memory_space<hbm>> -> memref<32x128xi32, #tpu.memory_space<hbm>>
        tpu.wait_dma2 semaphore(%run_scoped3A : memref<!tpu.dma_semaphore, #tpu.memory_space<semaphore_mem>>) src(%dma_wait3A_76 : memref<32x128xi32, #tpu.memory_space<hbm>>) dst(%arg7 : memref<32x128xi32, #tpu.memory_space<vmem>>)
        tpu.yield
      }) : () -> ()
      %scan3A_63 = arith.constant 0 : i32
      %scan3A_64 = arith.constant 0 : i32
      %scan3A_65 = arith.constant 16 : i32
      %scan3A_66 = arith.addi %scan3A_64, %scan3A_65 : i32
      %scan3A_67 = arith.constant 1 : i32
      %scan3A_68 = scf.for %scan3A_71 = %scan3A_64 to %scan3A_66 step %scan3A_67 iter_args(%scan3A_72 = %scan3A_63) -> (i32)  : i32 {
        %mul3A_73 = arith.constant 2 : i32
        %mul3A_74 = arith.muli %mul3A_73, %scan3A_71 : i32
        %dma_start3A = arith.constant 0 : i32
        %dma_start3A_75 = tpu.memref_slice %arg6[%mul3A_74, %dma_start3A] : memref<32x128xi32, #tpu.memory_space<vmem>> -> memref<1x128xi32, #tpu.memory_space<vmem>>
        %dma_start3A_76 = tpu.memref_squeeze %dma_start3A_75 : memref<1x128xi32, #tpu.memory_space<vmem>> -> memref<128xi32, #tpu.memory_space<vmem>>
        %dma_start3A_77 = arith.constant 0 : i32
        %dma_start3A_78 = arith.constant 0 : i32
        %dma_start3A_79 = tpu.memref_slice %arg2[%dma_start3A_77, %dma_start3A_78] : memref<10240x128xf32, #tpu.memory_space<hbm>> -> memref<10240x128xf32, #tpu.memory_space<hbm>>
        tpu.enqueue_indirect_dma source(%dma_start3A_79 : memref<10240x128xf32, #tpu.memory_space<hbm>>) target(%arg8 : memref<128x128xf32, #tpu.memory_space<vmem>>) offsets(%dma_start3A_76 : memref<128xi32, #tpu.memory_space<vmem>>) semaphore(%arg11 : memref<!tpu.dma_semaphore, #tpu.memory_space<semaphore_mem>>)
        %add3A_80 = arith.constant 1 : i32
        %add3A_81 = arith.addi %mul3A_74, %add3A_80 : i32
        %dma_start3A_82 = arith.constant 0 : i32
        %dma_start3A_83 = tpu.memref_slice %arg6[%add3A_81, %dma_start3A_82] : memref<32x128xi32, #tpu.memory_space<vmem>> -> memref<1x128xi32, #tpu.memory_space<vmem>>
        %dma_start3A_84 = tpu.memref_squeeze %dma_start3A_83 : memref<1x128xi32, #tpu.memory_space<vmem>> -> memref<128xi32, #tpu.memory_space<vmem>>
        %dma_start3A_85 = arith.constant 0 : i32
        %dma_start3A_86 = arith.constant 0 : i32
        %dma_start3A_87 = tpu.memref_slice %arg2[%dma_start3A_85, %dma_start3A_86] : memref<10240x128xf32, #tpu.memory_space<hbm>> -> memref<10240x128xf32, #tpu.memory_space<hbm>>
        tpu.enqueue_indirect_dma source(%dma_start3A_87 : memref<10240x128xf32, #tpu.memory_space<hbm>>) target(%arg9 : memref<128x128xf32, #tpu.memory_space<vmem>>) offsets(%dma_start3A_84 : memref<128xi32, #tpu.memory_space<vmem>>) semaphore(%arg12 : memref<!tpu.dma_semaphore, #tpu.memory_space<semaphore_mem>>)
        %dma_wait3A = arith.constant 0 : i32
        %dma_wait3A_88 = tpu.memref_slice %arg6[%mul3A_74, %dma_wait3A] : memref<32x128xi32, #tpu.memory_space<vmem>> -> memref<1x128xi32, #tpu.memory_space<vmem>>
        %dma_wait3A_89 = tpu.memref_squeeze %dma_wait3A_88 : memref<1x128xi32, #tpu.memory_space<vmem>> -> memref<128xi32, #tpu.memory_space<vmem>>
        %dma_wait3A_90 = arith.constant 0 : i32
        %dma_wait3A_91 = arith.constant 0 : i32
        %dma_wait3A_92 = tpu.memref_slice %arg2[%dma_wait3A_90, %dma_wait3A_91] : memref<10240x128xf32, #tpu.memory_space<hbm>> -> memref<10240x128xf32, #tpu.memory_space<hbm>>
        tpu.wait_indirect_dma semaphore(%arg11 : memref<!tpu.dma_semaphore, #tpu.memory_space<semaphore_mem>>) src(%dma_wait3A_92 : memref<10240x128xf32, #tpu.memory_space<hbm>>) dst(%arg8 : memref<128x128xf32, #tpu.memory_space<vmem>>)
        "tpu.region"() ({
          %run_scoped3A = tpu.sem_alloc : memref<!tpu.dma_semaphore, #tpu.memory_space<semaphore_mem>>
          %dma_start3A_102 = arith.constant 0 : i32
          %dma_start3A_103 = tpu.memref_slice %arg7[%mul3A_74, %dma_start3A_102] : memref<32x128xi32, #tpu.memory_space<vmem>> -> memref<1x128xi32, #tpu.memory_space<vmem>>
          %dma_start3A_104 = tpu.memref_squeeze %dma_start3A_103 : memref<1x128xi32, #tpu.memory_space<vmem>> -> memref<128xi32, #tpu.memory_space<vmem>>
          %dma_start3A_105 = arith.constant 0 : i32
          %dma_start3A_106 = arith.constant 0 : i32
          %dma_start3A_107 = tpu.memref_slice %arg10[%dma_start3A_105, %dma_start3A_106] : memref<10240x128xf32, #tpu.memory_space<vmem_shared>> -> memref<10240x128xf32, #tpu.memory_space<vmem_shared>>
          tpu.enqueue_indirect_dma source(%arg8 : memref<128x128xf32, #tpu.memory_space<vmem>>) target(%dma_start3A_107 : memref<10240x128xf32, #tpu.memory_space<vmem_shared>>) offsets(%dma_start3A_104 : memref<128xi32, #tpu.memory_space<vmem>>) semaphore(%run_scoped3A : memref<!tpu.dma_semaphore, #tpu.memory_space<semaphore_mem>>) {add = true}
          %dma_wait3A_108 = arith.constant 0 : i32
          %dma_wait3A_109 = tpu.memref_slice %arg7[%mul3A_74, %dma_wait3A_108] : memref<32x128xi32, #tpu.memory_space<vmem>> -> memref<1x128xi32, #tpu.memory_space<vmem>>
          %dma_wait3A_110 = tpu.memref_squeeze %dma_wait3A_109 : memref<1x128xi32, #tpu.memory_space<vmem>> -> memref<128xi32, #tpu.memory_space<vmem>>
          %dma_wait3A_111 = arith.constant 0 : i32
          %dma_wait3A_112 = arith.constant 0 : i32
          %dma_wait3A_113 = tpu.memref_slice %arg10[%dma_wait3A_111, %dma_wait3A_112] : memref<10240x128xf32, #tpu.memory_space<vmem_shared>> -> memref<10240x128xf32, #tpu.memory_space<vmem_shared>>
          tpu.wait_indirect_dma semaphore(%run_scoped3A : memref<!tpu.dma_semaphore, #tpu.memory_space<semaphore_mem>>) src(%arg8 : memref<128x128xf32, #tpu.memory_space<vmem>>) dst(%dma_wait3A_113 : memref<10240x128xf32, #tpu.memory_space<vmem_shared>>)
          tpu.yield
        }) : () -> ()
        %dma_wait3A_93 = arith.constant 0 : i32
        %dma_wait3A_94 = tpu.memref_slice %arg6[%add3A_81, %dma_wait3A_93] : memref<32x128xi32, #tpu.memory_space<vmem>> -> memref<1x128xi32, #tpu.memory_space<vmem>>
        %dma_wait3A_95 = tpu.memref_squeeze %dma_wait3A_94 : memref<1x128xi32, #tpu.memory_space<vmem>> -> memref<128xi32, #tpu.memory_space<vmem>>
        %dma_wait3A_96 = arith.constant 0 : i32
        %dma_wait3A_97 = arith.constant 0 : i32
        %dma_wait3A_98 = tpu.memref_slice %arg2[%dma_wait3A_96, %dma_wait3A_97] : memref<10240x128xf32, #tpu.memory_space<hbm>> -> memref<10240x128xf32, #tpu.memory_space<hbm>>
        tpu.wait_indirect_dma semaphore(%arg12 : memref<!tpu.dma_semaphore, #tpu.memory_space<semaphore_mem>>) src(%dma_wait3A_98 : memref<10240x128xf32, #tpu.memory_space<hbm>>) dst(%arg9 : memref<128x128xf32, #tpu.memory_space<vmem>>)
        %add3A_99 = arith.constant 1 : i32
        %add3A_100 = arith.addi %mul3A_74, %add3A_99 : i32
        "tpu.region"() ({
          %run_scoped3A = tpu.sem_alloc : memref<!tpu.dma_semaphore, #tpu.memory_space<semaphore_mem>>
          %dma_start3A_102 = arith.constant 0 : i32
          %dma_start3A_103 = tpu.memref_slice %arg7[%add3A_100, %dma_start3A_102] : memref<32x128xi32, #tpu.memory_space<vmem>> -> memref<1x128xi32, #tpu.memory_space<vmem>>
          %dma_start3A_104 = tpu.memref_squeeze %dma_start3A_103 : memref<1x128xi32, #tpu.memory_space<vmem>> -> memref<128xi32, #tpu.memory_space<vmem>>
          %dma_start3A_105 = arith.constant 0 : i32
          %dma_start3A_106 = arith.constant 0 : i32
          %dma_start3A_107 = tpu.memref_slice %arg10[%dma_start3A_105, %dma_start3A_106] : memref<10240x128xf32, #tpu.memory_space<vmem_shared>> -> memref<10240x128xf32, #tpu.memory_space<vmem_shared>>
          tpu.enqueue_indirect_dma source(%arg9 : memref<128x128xf32, #tpu.memory_space<vmem>>) target(%dma_start3A_107 : memref<10240x128xf32, #tpu.memory_space<vmem_shared>>) offsets(%dma_start3A_104 : memref<128xi32, #tpu.memory_space<vmem>>) semaphore(%run_scoped3A : memref<!tpu.dma_semaphore, #tpu.memory_space<semaphore_mem>>) {add = true}
          %dma_wait3A_108 = arith.constant 0 : i32
          %dma_wait3A_109 = tpu.memref_slice %arg7[%add3A_100, %dma_wait3A_108] : memref<32x128xi32, #tpu.memory_space<vmem>> -> memref<1x128xi32, #tpu.memory_space<vmem>>
          %dma_wait3A_110 = tpu.memref_squeeze %dma_wait3A_109 : memref<1x128xi32, #tpu.memory_space<vmem>> -> memref<128xi32, #tpu.memory_space<vmem>>
          %dma_wait3A_111 = arith.constant 0 : i32
          %dma_wait3A_112 = arith.constant 0 : i32
          %dma_wait3A_113 = tpu.memref_slice %arg10[%dma_wait3A_111, %dma_wait3A_112] : memref<10240x128xf32, #tpu.memory_space<vmem_shared>> -> memref<10240x128xf32, #tpu.memory_space<vmem_shared>>
          tpu.wait_indirect_dma semaphore(%run_scoped3A : memref<!tpu.dma_semaphore, #tpu.memory_space<semaphore_mem>>) src(%arg9 : memref<128x128xf32, #tpu.memory_space<vmem>>) dst(%dma_wait3A_113 : memref<10240x128xf32, #tpu.memory_space<vmem_shared>>)
          tpu.yield
        }) : () -> ()
        %scan3A_101 = arith.constant 0 : i32
        scf.yield %scan3A_101 : i32
      }
      %scan3A_69 = arith.constant 16 : i32
      %while3A_70 = arith.constant 0 : i32
      scf.yield %while3A_70 : i32
    }
    %while3A_51 = arith.constant 1 : i32
    %while3A_52 = scf.for %while3A_58 = %while3A_48 to %while3A_44 step %while3A_51 iter_args(%while3A_59 = %while3A_50) -> (i32)  : i32 {
      %mul3A_60 = arith.constant 32 : i32
      %mul3A_61 = arith.muli %while3A_58, %mul3A_60 : i32
      %add3A_62 = arith.addi %add3A_7, %mul3A_61 : i32
      "tpu.region"() ({
        %run_scoped3A = tpu.sem_alloc : memref<!tpu.dma_semaphore, #tpu.memory_space<semaphore_mem>>
        %dma_start3A = arith.constant 0 : i32
        %dma_start3A_71 = tpu.memref_slice %arg3[%add3A_62, %dma_start3A] : memref<2560x128xi32, #tpu.memory_space<hbm>> -> memref<32x128xi32, #tpu.memory_space<hbm>>
        %dma_start3A_72 = arith.constant 0 : i32
        %dma_start3A_73 = tpu.memref_slice %arg3[%add3A_62, %dma_start3A_72] : memref<2560x128xi32, #tpu.memory_space<hbm>> -> memref<32x128xi32, #tpu.memory_space<hbm>>
        tpu.enqueue_dma source(%dma_start3A_73 : memref<32x128xi32, #tpu.memory_space<hbm>>) target(%arg6 : memref<32x128xi32, #tpu.memory_space<vmem>>) target_semaphore(%run_scoped3A : memref<!tpu.dma_semaphore, #tpu.memory_space<semaphore_mem>>)
        %dma_wait3A = arith.constant 0 : i32
        %dma_wait3A_74 = tpu.memref_slice %arg3[%add3A_62, %dma_wait3A] : memref<2560x128xi32, #tpu.memory_space<hbm>> -> memref<32x128xi32, #tpu.memory_space<hbm>>
        %dma_wait3A_75 = arith.constant 0 : i32
        %dma_wait3A_76 = tpu.memref_slice %arg3[%add3A_62, %dma_wait3A_75] : memref<2560x128xi32, #tpu.memory_space<hbm>> -> memref<32x128xi32, #tpu.memory_space<hbm>>
        tpu.wait_dma2 semaphore(%run_scoped3A : memref<!tpu.dma_semaphore, #tpu.memory_space<semaphore_mem>>) src(%dma_wait3A_76 : memref<32x128xi32, #tpu.memory_space<hbm>>) dst(%arg6 : memref<32x128xi32, #tpu.memory_space<vmem>>)
        tpu.yield
      }) : () -> ()
      "tpu.region"() ({
        %run_scoped3A = tpu.sem_alloc : memref<!tpu.dma_semaphore, #tpu.memory_space<semaphore_mem>>
        %dma_start3A = arith.constant 0 : i32
        %dma_start3A_71 = tpu.memref_slice %arg4[%add3A_62, %dma_start3A] : memref<2560x128xi32, #tpu.memory_space<hbm>> -> memref<32x128xi32, #tpu.memory_space<hbm>>
        %dma_start3A_72 = arith.constant 0 : i32
        %dma_start3A_73 = tpu.memref_slice %arg4[%add3A_62, %dma_start3A_72] : memref<2560x128xi32, #tpu.memory_space<hbm>> -> memref<32x128xi32, #tpu.memory_space<hbm>>
        tpu.enqueue_dma source(%dma_start3A_73 : memref<32x128xi32, #tpu.memory_space<hbm>>) target(%arg7 : memref<32x128xi32, #tpu.memory_space<vmem>>) target_semaphore(%run_scoped3A : memref<!tpu.dma_semaphore, #tpu.memory_space<semaphore_mem>>)
        %dma_wait3A = arith.constant 0 : i32
        %dma_wait3A_74 = tpu.memref_slice %arg4[%add3A_62, %dma_wait3A] : memref<2560x128xi32, #tpu.memory_space<hbm>> -> memref<32x128xi32, #tpu.memory_space<hbm>>
        %dma_wait3A_75 = arith.constant 0 : i32
        %dma_wait3A_76 = tpu.memref_slice %arg4[%add3A_62, %dma_wait3A_75] : memref<2560x128xi32, #tpu.memory_space<hbm>> -> memref<32x128xi32, #tpu.memory_space<hbm>>
        tpu.wait_dma2 semaphore(%run_scoped3A : memref<!tpu.dma_semaphore, #tpu.memory_space<semaphore_mem>>) src(%dma_wait3A_76 : memref<32x128xi32, #tpu.memory_space<hbm>>) dst(%arg7 : memref<32x128xi32, #tpu.memory_space<vmem>>)
        tpu.yield
      }) : () -> ()
      %scan3A_63 = arith.constant 0 : i32
      %scan3A_64 = arith.constant 0 : i32
      %scan3A_65 = arith.constant 16 : i32
      %scan3A_66 = arith.addi %scan3A_64, %scan3A_65 : i32
      %scan3A_67 = arith.constant 1 : i32
      %scan3A_68 = scf.for %scan3A_71 = %scan3A_64 to %scan3A_66 step %scan3A_67 iter_args(%scan3A_72 = %scan3A_63) -> (i32)  : i32 {
        %mul3A_73 = arith.constant 2 : i32
        %mul3A_74 = arith.muli %mul3A_73, %scan3A_71 : i32
        %dma_start3A = arith.constant 0 : i32
        %dma_start3A_75 = tpu.memref_slice %arg6[%mul3A_74, %dma_start3A] : memref<32x128xi32, #tpu.memory_space<vmem>> -> memref<1x128xi32, #tpu.memory_space<vmem>>
        %dma_start3A_76 = tpu.memref_squeeze %dma_start3A_75 : memref<1x128xi32, #tpu.memory_space<vmem>> -> memref<128xi32, #tpu.memory_space<vmem>>
        %dma_start3A_77 = arith.constant 0 : i32
        %dma_start3A_78 = arith.constant 0 : i32
        %dma_start3A_79 = tpu.memref_slice %arg2[%dma_start3A_77, %dma_start3A_78] : memref<10240x128xf32, #tpu.memory_space<hbm>> -> memref<10240x128xf32, #tpu.memory_space<hbm>>
        tpu.enqueue_indirect_dma source(%dma_start3A_79 : memref<10240x128xf32, #tpu.memory_space<hbm>>) target(%arg8 : memref<128x128xf32, #tpu.memory_space<vmem>>) offsets(%dma_start3A_76 : memref<128xi32, #tpu.memory_space<vmem>>) semaphore(%arg11 : memref<!tpu.dma_semaphore, #tpu.memory_space<semaphore_mem>>)
        %add3A_80 = arith.constant 1 : i32
        %add3A_81 = arith.addi %mul3A_74, %add3A_80 : i32
        %dma_start3A_82 = arith.constant 0 : i32
        %dma_start3A_83 = tpu.memref_slice %arg6[%add3A_81, %dma_start3A_82] : memref<32x128xi32, #tpu.memory_space<vmem>> -> memref<1x128xi32, #tpu.memory_space<vmem>>
        %dma_start3A_84 = tpu.memref_squeeze %dma_start3A_83 : memref<1x128xi32, #tpu.memory_space<vmem>> -> memref<128xi32, #tpu.memory_space<vmem>>
        %dma_start3A_85 = arith.constant 0 : i32
        %dma_start3A_86 = arith.constant 0 : i32
        %dma_start3A_87 = tpu.memref_slice %arg2[%dma_start3A_85, %dma_start3A_86] : memref<10240x128xf32, #tpu.memory_space<hbm>> -> memref<10240x128xf32, #tpu.memory_space<hbm>>
        tpu.enqueue_indirect_dma source(%dma_start3A_87 : memref<10240x128xf32, #tpu.memory_space<hbm>>) target(%arg9 : memref<128x128xf32, #tpu.memory_space<vmem>>) offsets(%dma_start3A_84 : memref<128xi32, #tpu.memory_space<vmem>>) semaphore(%arg12 : memref<!tpu.dma_semaphore, #tpu.memory_space<semaphore_mem>>)
        %dma_wait3A = arith.constant 0 : i32
        %dma_wait3A_88 = tpu.memref_slice %arg6[%mul3A_74, %dma_wait3A] : memref<32x128xi32, #tpu.memory_space<vmem>> -> memref<1x128xi32, #tpu.memory_space<vmem>>
        %dma_wait3A_89 = tpu.memref_squeeze %dma_wait3A_88 : memref<1x128xi32, #tpu.memory_space<vmem>> -> memref<128xi32, #tpu.memory_space<vmem>>
        %dma_wait3A_90 = arith.constant 0 : i32
        %dma_wait3A_91 = arith.constant 0 : i32
        %dma_wait3A_92 = tpu.memref_slice %arg2[%dma_wait3A_90, %dma_wait3A_91] : memref<10240x128xf32, #tpu.memory_space<hbm>> -> memref<10240x128xf32, #tpu.memory_space<hbm>>
        tpu.wait_indirect_dma semaphore(%arg11 : memref<!tpu.dma_semaphore, #tpu.memory_space<semaphore_mem>>) src(%dma_wait3A_92 : memref<10240x128xf32, #tpu.memory_space<hbm>>) dst(%arg8 : memref<128x128xf32, #tpu.memory_space<vmem>>)
        "tpu.region"() ({
          %run_scoped3A = tpu.sem_alloc : memref<!tpu.dma_semaphore, #tpu.memory_space<semaphore_mem>>
          %dma_start3A_102 = arith.constant 0 : i32
          %dma_start3A_103 = tpu.memref_slice %arg7[%mul3A_74, %dma_start3A_102] : memref<32x128xi32, #tpu.memory_space<vmem>> -> memref<1x128xi32, #tpu.memory_space<vmem>>
          %dma_start3A_104 = tpu.memref_squeeze %dma_start3A_103 : memref<1x128xi32, #tpu.memory_space<vmem>> -> memref<128xi32, #tpu.memory_space<vmem>>
          %dma_start3A_105 = arith.constant 0 : i32
          %dma_start3A_106 = arith.constant 0 : i32
          %dma_start3A_107 = tpu.memref_slice %arg10[%dma_start3A_105, %dma_start3A_106] : memref<10240x128xf32, #tpu.memory_space<vmem_shared>> -> memref<10240x128xf32, #tpu.memory_space<vmem_shared>>
          tpu.enqueue_indirect_dma source(%arg8 : memref<128x128xf32, #tpu.memory_space<vmem>>) target(%dma_start3A_107 : memref<10240x128xf32, #tpu.memory_space<vmem_shared>>) offsets(%dma_start3A_104 : memref<128xi32, #tpu.memory_space<vmem>>) semaphore(%run_scoped3A : memref<!tpu.dma_semaphore, #tpu.memory_space<semaphore_mem>>) {add = true}
          %dma_wait3A_108 = arith.constant 0 : i32
          %dma_wait3A_109 = tpu.memref_slice %arg7[%mul3A_74, %dma_wait3A_108] : memref<32x128xi32, #tpu.memory_space<vmem>> -> memref<1x128xi32, #tpu.memory_space<vmem>>
          %dma_wait3A_110 = tpu.memref_squeeze %dma_wait3A_109 : memref<1x128xi32, #tpu.memory_space<vmem>> -> memref<128xi32, #tpu.memory_space<vmem>>
          %dma_wait3A_111 = arith.constant 0 : i32
          %dma_wait3A_112 = arith.constant 0 : i32
          %dma_wait3A_113 = tpu.memref_slice %arg10[%dma_wait3A_111, %dma_wait3A_112] : memref<10240x128xf32, #tpu.memory_space<vmem_shared>> -> memref<10240x128xf32, #tpu.memory_space<vmem_shared>>
          tpu.wait_indirect_dma semaphore(%run_scoped3A : memref<!tpu.dma_semaphore, #tpu.memory_space<semaphore_mem>>) src(%arg8 : memref<128x128xf32, #tpu.memory_space<vmem>>) dst(%dma_wait3A_113 : memref<10240x128xf32, #tpu.memory_space<vmem_shared>>)
          tpu.yield
        }) : () -> ()
        %dma_wait3A_93 = arith.constant 0 : i32
        %dma_wait3A_94 = tpu.memref_slice %arg6[%add3A_81, %dma_wait3A_93] : memref<32x128xi32, #tpu.memory_space<vmem>> -> memref<1x128xi32, #tpu.memory_space<vmem>>
        %dma_wait3A_95 = tpu.memref_squeeze %dma_wait3A_94 : memref<1x128xi32, #tpu.memory_space<vmem>> -> memref<128xi32, #tpu.memory_space<vmem>>
        %dma_wait3A_96 = arith.constant 0 : i32
        %dma_wait3A_97 = arith.constant 0 : i32
        %dma_wait3A_98 = tpu.memref_slice %arg2[%dma_wait3A_96, %dma_wait3A_97] : memref<10240x128xf32, #tpu.memory_space<hbm>> -> memref<10240x128xf32, #tpu.memory_space<hbm>>
        tpu.wait_indirect_dma semaphore(%arg12 : memref<!tpu.dma_semaphore, #tpu.memory_space<semaphore_mem>>) src(%dma_wait3A_98 : memref<10240x128xf32, #tpu.memory_space<hbm>>) dst(%arg9 : memref<128x128xf32, #tpu.memory_space<vmem>>)
        %add3A_99 = arith.constant 1 : i32
        %add3A_100 = arith.addi %mul3A_74, %add3A_99 : i32
        "tpu.region"() ({
          %run_scoped3A = tpu.sem_alloc : memref<!tpu.dma_semaphore, #tpu.memory_space<semaphore_mem>>
          %dma_start3A_102 = arith.constant 0 : i32
          %dma_start3A_103 = tpu.memref_slice %arg7[%add3A_100, %dma_start3A_102] : memref<32x128xi32, #tpu.memory_space<vmem>> -> memref<1x128xi32, #tpu.memory_space<vmem>>
          %dma_start3A_104 = tpu.memref_squeeze %dma_start3A_103 : memref<1x128xi32, #tpu.memory_space<vmem>> -> memref<128xi32, #tpu.memory_space<vmem>>
          %dma_start3A_105 = arith.constant 0 : i32
          %dma_start3A_106 = arith.constant 0 : i32
          %dma_start3A_107 = tpu.memref_slice %arg10[%dma_start3A_105, %dma_start3A_106] : memref<10240x128xf32, #tpu.memory_space<vmem_shared>> -> memref<10240x128xf32, #tpu.memory_space<vmem_shared>>
          tpu.enqueue_indirect_dma source(%arg9 : memref<128x128xf32, #tpu.memory_space<vmem>>) target(%dma_start3A_107 : memref<10240x128xf32, #tpu.memory_space<vmem_shared>>) offsets(%dma_start3A_104 : memref<128xi32, #tpu.memory_space<vmem>>) semaphore(%run_scoped3A : memref<!tpu.dma_semaphore, #tpu.memory_space<semaphore_mem>>) {add = true}
          %dma_wait3A_108 = arith.constant 0 : i32
          %dma_wait3A_109 = tpu.memref_slice %arg7[%add3A_100, %dma_wait3A_108] : memref<32x128xi32, #tpu.memory_space<vmem>> -> memref<1x128xi32, #tpu.memory_space<vmem>>
          %dma_wait3A_110 = tpu.memref_squeeze %dma_wait3A_109 : memref<1x128xi32, #tpu.memory_space<vmem>> -> memref<128xi32, #tpu.memory_space<vmem>>
          %dma_wait3A_111 = arith.constant 0 : i32
          %dma_wait3A_112 = arith.constant 0 : i32
          %dma_wait3A_113 = tpu.memref_slice %arg10[%dma_wait3A_111, %dma_wait3A_112] : memref<10240x128xf32, #tpu.memory_space<vmem_shared>> -> memref<10240x128xf32, #tpu.memory_space<vmem_shared>>
          tpu.wait_indirect_dma semaphore(%run_scoped3A : memref<!tpu.dma_semaphore, #tpu.memory_space<semaphore_mem>>) src(%arg9 : memref<128x128xf32, #tpu.memory_space<vmem>>) dst(%dma_wait3A_113 : memref<10240x128xf32, #tpu.memory_space<vmem_shared>>)
          tpu.yield
        }) : () -> ()
        %scan3A_101 = arith.constant 0 : i32
        scf.yield %scan3A_101 : i32
      }
      %scan3A_69 = arith.constant 16 : i32
      %while3A_70 = arith.constant 0 : i32
      scf.yield %while3A_70 : i32
    }
    %barrier3A_53 = arith.constant 0 : index
    tpu.barrier barrier_id(%barrier3A_53)
    %mul3A_54 = arith.constant 640 : i32
    %mul3A_55 = arith.muli %arg1, %mul3A_54 : i32
    %mul3A_56 = arith.constant 640 : i32
    %mul3A_57 = arith.muli %arg1, %mul3A_56 : i32
    "tpu.region"() ({
      %run_scoped3A = tpu.sem_alloc : memref<!tpu.dma_semaphore, #tpu.memory_space<semaphore_mem>>
      %dma_start3A = arith.constant 0 : i32
      %dma_start3A_58 = tpu.memref_slice %arg5[%arg0, %mul3A_57, %dma_start3A] : memref<2x10240x128xf32, #tpu.memory_space<hbm>> -> memref<1x640x128xf32, #tpu.memory_space<hbm>>
      %dma_start3A_59 = tpu.memref_squeeze %dma_start3A_58 : memref<1x640x128xf32, #tpu.memory_space<hbm>> -> memref<640x128xf32, #tpu.memory_space<hbm>>
      %dma_start3A_60 = arith.constant 0 : i32
      %dma_start3A_61 = tpu.memref_slice %arg10[%mul3A_55, %dma_start3A_60] : memref<10240x128xf32, #tpu.memory_space<vmem_shared>> -> memref<640x128xf32, #tpu.memory_space<vmem_shared>>
      tpu.enqueue_dma source(%dma_start3A_61 : memref<640x128xf32, #tpu.memory_space<vmem_shared>>) target(%dma_start3A_59 : memref<640x128xf32, #tpu.memory_space<hbm>>) target_semaphore(%run_scoped3A : memref<!tpu.dma_semaphore, #tpu.memory_space<semaphore_mem>>)
      %dma_wait3A = arith.constant 0 : i32
      %dma_wait3A_62 = tpu.memref_slice %arg5[%arg0, %mul3A_57, %dma_wait3A] : memref<2x10240x128xf32, #tpu.memory_space<hbm>> -> memref<1x640x128xf32, #tpu.memory_space<hbm>>
      %dma_wait3A_63 = tpu.memref_squeeze %dma_wait3A_62 : memref<1x640x128xf32, #tpu.memory_space<hbm>> -> memref<640x128xf32, #tpu.memory_space<hbm>>
      %dma_wait3A_64 = arith.constant 0 : i32
      %dma_wait3A_65 = tpu.memref_slice %arg10[%mul3A_55, %dma_wait3A_64] : memref<10240x128xf32, #tpu.memory_space<vmem_shared>> -> memref<640x128xf32, #tpu.memory_space<vmem_shared>>
      tpu.wait_dma2 semaphore(%run_scoped3A : memref<!tpu.dma_semaphore, #tpu.memory_space<semaphore_mem>>) src(%dma_wait3A_65 : memref<640x128xf32, #tpu.memory_space<vmem_shared>>) dst(%dma_wait3A_63 : memref<640x128xf32, #tpu.memory_space<hbm>>)
      tpu.yield
    }) : () -> ()
    return
  }
}

#map = affine_map<(d0, d1) -> (0, 0)>
#map1 = affine_map<(d0, d1) -> (0, 0, 0)>
module attributes {stable_mosaic.version = 14 : i64} {
  func.func @deg_kernel(%arg0: i32, %arg1: i32, %arg2: memref<2560x128xi32, #tpu.memory_space<hbm>>, %arg3: memref<32x640x16xf32, #tpu.memory_space<hbm>>, %arg4: memref<80x128xi32, #tpu.memory_space<vmem>>, %arg5: memref<640x16xf32, #tpu.memory_space<vmem>>) attributes {dimension_semantics = [#tpu.dimension_semantics<core_parallel>, #tpu.dimension_semantics<subcore_parallel>], iteration_bounds = array<i64: 2, 16>, scalar_prefetch = 0 : i64, scratch_operands = 2 : i64, tpu.core_type = #tpu.core_type<sc_vector_subcore>, window_params = [{transform_indices = #map}, {transform_indices = #map1}]} {
    %mul3A = arith.constant 2 : i32
    %mul3A_0 = arith.muli %arg1, %mul3A : i32
    %add3A = arith.addi %mul3A_0, %arg0 : i32
    %broadcast_in_dim3A = arith.constant 0.000000e+00 : f32
    %broadcast_in_dim3A_1 = vector.broadcast %broadcast_in_dim3A : f32 to vector<16xf32>
    %scan3A = arith.constant 0 : i32
    %scan3A_2 = arith.constant 0 : i32
    %scan3A_3 = arith.constant 640 : i32
    %scan3A_4 = arith.addi %scan3A_2, %scan3A_3 : i32
    %scan3A_5 = arith.constant 1 : i32
    %scan3A_6 = scf.for %scan3A_19 = %scan3A_2 to %scan3A_4 step %scan3A_5 iter_args(%scan3A_20 = %scan3A) -> (i32)  : i32 {
      %swap3A = arith.index_cast %scan3A_19 : i32 to index
      %swap3A_21 = arith.constant 0 : index
      %swap3A_22 = tpu.vector_load %arg5[%swap3A, %swap3A_21] {strides = array<i32>} : memref<640x16xf32, #tpu.memory_space<vmem>>, vector<16xf32>,
      tpu.vector_store %arg5[%swap3A, %swap3A_21], %broadcast_in_dim3A_1 {strides = array<i32>} : memref<640x16xf32, #tpu.memory_space<vmem>>, vector<16xf32>,
      %scan3A_23 = arith.constant 0 : i32
      scf.yield %scan3A_23 : i32
    }
    %scan3A_7 = arith.constant 640 : i32
    %mul3A_8 = arith.constant 80 : i32
    %mul3A_9 = arith.muli %add3A, %mul3A_8 : i32
    "tpu.region"() ({
      %run_scoped3A = tpu.sem_alloc : memref<!tpu.dma_semaphore, #tpu.memory_space<semaphore_mem>>
      %dma_start3A = arith.constant 0 : i32
      %dma_start3A_19 = tpu.memref_slice %arg2[%mul3A_9, %dma_start3A] : memref<2560x128xi32, #tpu.memory_space<hbm>> -> memref<80x128xi32, #tpu.memory_space<hbm>>
      %dma_start3A_20 = arith.constant 0 : i32
      %dma_start3A_21 = tpu.memref_slice %arg2[%mul3A_9, %dma_start3A_20] : memref<2560x128xi32, #tpu.memory_space<hbm>> -> memref<80x128xi32, #tpu.memory_space<hbm>>
      tpu.enqueue_dma source(%dma_start3A_21 : memref<80x128xi32, #tpu.memory_space<hbm>>) target(%arg4 : memref<80x128xi32, #tpu.memory_space<vmem>>) target_semaphore(%run_scoped3A : memref<!tpu.dma_semaphore, #tpu.memory_space<semaphore_mem>>)
      %dma_wait3A = arith.constant 0 : i32
      %dma_wait3A_22 = tpu.memref_slice %arg2[%mul3A_9, %dma_wait3A] : memref<2560x128xi32, #tpu.memory_space<hbm>> -> memref<80x128xi32, #tpu.memory_space<hbm>>
      %dma_wait3A_23 = arith.constant 0 : i32
      %dma_wait3A_24 = tpu.memref_slice %arg2[%mul3A_9, %dma_wait3A_23] : memref<2560x128xi32, #tpu.memory_space<hbm>> -> memref<80x128xi32, #tpu.memory_space<hbm>>
      tpu.wait_dma2 semaphore(%run_scoped3A : memref<!tpu.dma_semaphore, #tpu.memory_space<semaphore_mem>>) src(%dma_wait3A_24 : memref<80x128xi32, #tpu.memory_space<hbm>>) dst(%arg4 : memref<80x128xi32, #tpu.memory_space<vmem>>)
      tpu.yield
    }) : () -> ()
    %broadcast_in_dim3A_10 = arith.constant 1.000000e+00 : f32
    %broadcast_in_dim3A_11 = vector.broadcast %broadcast_in_dim3A_10 : f32 to vector<16xf32>
    %scan3A_12 = arith.constant 0 : i32
    %scan3A_13 = arith.constant 0 : i32
    %scan3A_14 = arith.constant 80 : i32
    %scan3A_15 = arith.addi %scan3A_13, %scan3A_14 : i32
    %scan3A_16 = arith.constant 1 : i32
    %scan3A_17 = scf.for %scan3A_19 = %scan3A_13 to %scan3A_15 step %scan3A_16 iter_args(%scan3A_20 = %scan3A_12) -> (i32)  : i32 {
      %scan3A_21 = arith.constant 0 : i32
      %scan3A_22 = arith.constant 0 : i32
      %scan3A_23 = arith.constant 8 : i32
      %scan3A_24 = arith.addi %scan3A_22, %scan3A_23 : i32
      %scan3A_25 = arith.constant 1 : i32
      %scan3A_26 = scf.for %scan3A_29 = %scan3A_22 to %scan3A_24 step %scan3A_25 iter_args(%scan3A_30 = %scan3A_21) -> (i32)  : i32 {
        %mul3A_31 = arith.constant 16 : i32
        %mul3A_32 = arith.muli %scan3A_29, %mul3A_31 : i32
        %get3A = arith.index_cast %scan3A_19 : i32 to index
        %get3A_33 = arith.index_cast %mul3A_32 : i32 to index
        %get3A_34 = tpu.vector_load %arg4[%get3A, %get3A_33] {strides = array<i32>} : memref<80x128xi32, #tpu.memory_space<vmem>>, vector<16xi32>,
        %shift_right_arithmetic3A = arith.constant 4 : i32
        %shift_right_arithmetic3A_35 = vector.broadcast %shift_right_arithmetic3A : i32 to vector<16xi32>
        %shift_right_arithmetic3A_36 = arith.shrsi %get3A_34, %shift_right_arithmetic3A_35 : vector<16xi32>
        %and3A = arith.constant 15 : i32
        %and3A_37 = vector.broadcast %and3A : i32 to vector<16xi32>
        %and3A_38 = arith.andi %get3A_34, %and3A_37 : vector<16xi32>
        tpu.vector_store_idx %arg5[%shift_right_arithmetic3A_36, %and3A_38], %broadcast_in_dim3A_11 {add = true} : memref<640x16xf32, #tpu.memory_space<vmem>>[vector<16xi32>, vector<16xi32>], vector<16xf32>,
        %scan3A_39 = arith.constant 0 : i32
        scf.yield %scan3A_39 : i32
      }
      %scan3A_27 = arith.constant 8 : i32
      %scan3A_28 = arith.constant 0 : i32
      scf.yield %scan3A_28 : i32
    }
    %scan3A_18 = arith.constant 80 : i32
    "tpu.region"() ({
      %run_scoped3A = tpu.sem_alloc : memref<!tpu.dma_semaphore, #tpu.memory_space<semaphore_mem>>
      %dma_start3A = arith.constant 0 : i32
      %dma_start3A_19 = arith.constant 0 : i32
      %dma_start3A_20 = tpu.memref_slice %arg3[%add3A, %dma_start3A, %dma_start3A_19] : memref<32x640x16xf32, #tpu.memory_space<hbm>> -> memref<1x640x16xf32, #tpu.memory_space<hbm>>
      %dma_start3A_21 = tpu.memref_squeeze %dma_start3A_20 : memref<1x640x16xf32, #tpu.memory_space<hbm>> -> memref<640x16xf32, #tpu.memory_space<hbm>>
      %dma_start3A_22 = arith.constant 0 : i32
      %dma_start3A_23 = arith.constant 0 : i32
      %dma_start3A_24 = tpu.memref_slice %arg3[%add3A, %dma_start3A_22, %dma_start3A_23] : memref<32x640x16xf32, #tpu.memory_space<hbm>> -> memref<1x640x16xf32, #tpu.memory_space<hbm>>
      %dma_start3A_25 = tpu.memref_squeeze %dma_start3A_24 : memref<1x640x16xf32, #tpu.memory_space<hbm>> -> memref<640x16xf32, #tpu.memory_space<hbm>>
      tpu.enqueue_dma source(%arg5 : memref<640x16xf32, #tpu.memory_space<vmem>>) target(%dma_start3A_25 : memref<640x16xf32, #tpu.memory_space<hbm>>) target_semaphore(%run_scoped3A : memref<!tpu.dma_semaphore, #tpu.memory_space<semaphore_mem>>)
      %dma_wait3A = arith.constant 0 : i32
      %dma_wait3A_26 = arith.constant 0 : i32
      %dma_wait3A_27 = tpu.memref_slice %arg3[%add3A, %dma_wait3A, %dma_wait3A_26] : memref<32x640x16xf32, #tpu.memory_space<hbm>> -> memref<1x640x16xf32, #tpu.memory_space<hbm>>
      %dma_wait3A_28 = tpu.memref_squeeze %dma_wait3A_27 : memref<1x640x16xf32, #tpu.memory_space<hbm>> -> memref<640x16xf32, #tpu.memory_space<hbm>>
      %dma_wait3A_29 = arith.constant 0 : i32
      %dma_wait3A_30 = arith.constant 0 : i32
      %dma_wait3A_31 = tpu.memref_slice %arg3[%add3A, %dma_wait3A_29, %dma_wait3A_30] : memref<32x640x16xf32, #tpu.memory_space<hbm>> -> memref<1x640x16xf32, #tpu.memory_space<hbm>>
      %dma_wait3A_32 = tpu.memref_squeeze %dma_wait3A_31 : memref<1x640x16xf32, #tpu.memory_space<hbm>> -> memref<640x16xf32, #tpu.memory_space<hbm>>
      tpu.wait_dma2 semaphore(%run_scoped3A : memref<!tpu.dma_semaphore, #tpu.memory_space<semaphore_mem>>) src(%arg5 : memref<640x16xf32, #tpu.memory_space<vmem>>) dst(%dma_wait3A_32 : memref<640x16xf32, #tpu.memory_space<hbm>>)
      tpu.yield
    }) : () -> ()
    return
  }
}

#map = affine_map<(d0, d1) -> (0, 0)>
#map1 = affine_map<(d0, d1) -> (0, 0, 0)>
module attributes {stable_mosaic.version = 14 : i64} {
  func.func @edge_kernel(%arg0: i32, %arg1: i32, %arg2: memref<10240x128xf32, #tpu.memory_space<hbm>>, %arg3: memref<2560x128xi32, #tpu.memory_space<hbm>>, %arg4: memref<2560x128xi32, #tpu.memory_space<hbm>>, %arg5: memref<2x10240x128xf32, #tpu.memory_space<hbm>>, %arg6: memref<32x128xi32, #tpu.memory_space<vmem>>, %arg7: memref<32x128xi32, #tpu.memory_space<vmem>>, %arg8: memref<128x128xf32, #tpu.memory_space<vmem>>, %arg9: memref<128x128xf32, #tpu.memory_space<vmem>>, %arg10: memref<10240x128xf32, #tpu.memory_space<vmem_shared>>, %arg11: memref<!tpu.dma_semaphore, #tpu.memory_space<semaphore_mem>>, %arg12: memref<!tpu.dma_semaphore, #tpu.memory_space<semaphore_mem>>, %arg13: memref<!tpu.dma_semaphore, #tpu.memory_space<semaphore_mem>>, %arg14: memref<!tpu.dma_semaphore, #tpu.memory_space<semaphore_mem>>) attributes {dimension_semantics = [#tpu.dimension_semantics<core_parallel>, #tpu.dimension_semantics<subcore_parallel>], iteration_bounds = array<i64: 2, 16>, scalar_prefetch = 0 : i64, scratch_operands = 9 : i64, tpu.core_type = #tpu.core_type<sc_vector_subcore>, window_params = [{transform_indices = #map}, {transform_indices = #map}, {transform_indices = #map}, {transform_indices = #map1}]} {
    %sub3A = arith.constant 1 : i32
    %sub3A_0 = arith.subi %sub3A, %arg0 : i32
    %mul3A = arith.constant 80 : i32
    %mul3A_1 = arith.muli %arg1, %mul3A : i32
    %mul3A_2 = arith.muli %sub3A_0, %mul3A_1 : i32
    %mul3A_3 = arith.constant 80 : i32
    %mul3A_4 = arith.muli %arg1, %mul3A_3 : i32
    %add3A = arith.constant 1280 : i32
    %add3A_5 = arith.addi %add3A, %mul3A_4 : i32
    %mul3A_6 = arith.muli %arg0, %add3A_5 : i32
    %add3A_7 = arith.addi %mul3A_2, %mul3A_6 : i32
    %sub3A_8 = arith.constant 1 : i32
    %sub3A_9 = arith.subi %sub3A_8, %arg0 : i32
    %mul3A_10 = arith.constant 2 : i32
    %mul3A_11 = arith.muli %sub3A_9, %mul3A_10 : i32
    %mul3A_12 = arith.constant 2 : i32
    %mul3A_13 = arith.muli %arg0, %mul3A_12 : i32
    %add3A_14 = arith.addi %mul3A_11, %mul3A_13 : i32
    %broadcast_in_dim3A = arith.constant 0.000000e+00 : f32
    %broadcast_in_dim3A_15 = vector.broadcast %broadcast_in_dim3A : f32 to vector<16xf32>
    %scan3A = arith.constant 0 : i32
    %scan3A_16 = arith.constant 0 : i32
    %scan3A_17 = arith.constant 128 : i32
    %scan3A_18 = arith.addi %scan3A_16, %scan3A_17 : i32
    %scan3A_19 = arith.constant 1 : i32
    %scan3A_20 = scf.for %scan3A_58 = %scan3A_16 to %scan3A_18 step %scan3A_19 iter_args(%scan3A_59 = %scan3A) -> (i32)  : i32 {
      %swap3A = arith.index_cast %scan3A_58 : i32 to index
      %swap3A_60 = arith.constant 0 : index
      %swap3A_61 = tpu.vector_load %arg8[%swap3A, %swap3A_60] {strides = array<i32>} : memref<128x128xf32, #tpu.memory_space<vmem>>, vector<1x16xf32>,
      %swap3A_62 = vector.shape_cast %swap3A_61 : vector<1x16xf32> to vector<16xf32>
      %swap3A_63 = vector.shape_cast %broadcast_in_dim3A_15 : vector<16xf32> to vector<1x16xf32>
      tpu.vector_store %arg8[%swap3A, %swap3A_60], %swap3A_63 {strides = array<i32>} : memref<128x128xf32, #tpu.memory_space<vmem>>, vector<1x16xf32>,
      %swap3A_64 = arith.index_cast %scan3A_58 : i32 to index
      %swap3A_65 = arith.constant 16 : index
      %swap3A_66 = tpu.vector_load %arg8[%swap3A_64, %swap3A_65] {strides = array<i32>} : memref<128x128xf32, #tpu.memory_space<vmem>>, vector<1x16xf32>,
      %swap3A_67 = vector.shape_cast %swap3A_66 : vector<1x16xf32> to vector<16xf32>
      %swap3A_68 = vector.shape_cast %broadcast_in_dim3A_15 : vector<16xf32> to vector<1x16xf32>
      tpu.vector_store %arg8[%swap3A_64, %swap3A_65], %swap3A_68 {strides = array<i32>} : memref<128x128xf32, #tpu.memory_space<vmem>>, vector<1x16xf32>,
      %swap3A_69 = arith.index_cast %scan3A_58 : i32 to index
      %swap3A_70 = arith.constant 32 : index
      %swap3A_71 = tpu.vector_load %arg8[%swap3A_69, %swap3A_70] {strides = array<i32>} : memref<128x128xf32, #tpu.memory_space<vmem>>, vector<1x16xf32>,
      %swap3A_72 = vector.shape_cast %swap3A_71 : vector<1x16xf32> to vector<16xf32>
      %swap3A_73 = vector.shape_cast %broadcast_in_dim3A_15 : vector<16xf32> to vector<1x16xf32>
      tpu.vector_store %arg8[%swap3A_69, %swap3A_70], %swap3A_73 {strides = array<i32>} : memref<128x128xf32, #tpu.memory_space<vmem>>, vector<1x16xf32>,
      %swap3A_74 = arith.index_cast %scan3A_58 : i32 to index
      %swap3A_75 = arith.constant 48 : index
      %swap3A_76 = tpu.vector_load %arg8[%swap3A_74, %swap3A_75] {strides = array<i32>} : memref<128x128xf32, #tpu.memory_space<vmem>>, vector<1x16xf32>,
      %swap3A_77 = vector.shape_cast %swap3A_76 : vector<1x16xf32> to vector<16xf32>
      %swap3A_78 = vector.shape_cast %broadcast_in_dim3A_15 : vector<16xf32> to vector<1x16xf32>
      tpu.vector_store %arg8[%swap3A_74, %swap3A_75], %swap3A_78 {strides = array<i32>} : memref<128x128xf32, #tpu.memory_space<vmem>>, vector<1x16xf32>,
      %swap3A_79 = arith.index_cast %scan3A_58 : i32 to index
      %swap3A_80 = arith.constant 64 : index
      %swap3A_81 = tpu.vector_load %arg8[%swap3A_79, %swap3A_80] {strides = array<i32>} : memref<128x128xf32, #tpu.memory_space<vmem>>, vector<1x16xf32>,
      %swap3A_82 = vector.shape_cast %swap3A_81 : vector<1x16xf32> to vector<16xf32>
      %swap3A_83 = vector.shape_cast %broadcast_in_dim3A_15 : vector<16xf32> to vector<1x16xf32>
      tpu.vector_store %arg8[%swap3A_79, %swap3A_80], %swap3A_83 {strides = array<i32>} : memref<128x128xf32, #tpu.memory_space<vmem>>, vector<1x16xf32>,
      %swap3A_84 = arith.index_cast %scan3A_58 : i32 to index
      %swap3A_85 = arith.constant 80 : index
      %swap3A_86 = tpu.vector_load %arg8[%swap3A_84, %swap3A_85] {strides = array<i32>} : memref<128x128xf32, #tpu.memory_space<vmem>>, vector<1x16xf32>,
      %swap3A_87 = vector.shape_cast %swap3A_86 : vector<1x16xf32> to vector<16xf32>
      %swap3A_88 = vector.shape_cast %broadcast_in_dim3A_15 : vector<16xf32> to vector<1x16xf32>
      tpu.vector_store %arg8[%swap3A_84, %swap3A_85], %swap3A_88 {strides = array<i32>} : memref<128x128xf32, #tpu.memory_space<vmem>>, vector<1x16xf32>,
      %swap3A_89 = arith.index_cast %scan3A_58 : i32 to index
      %swap3A_90 = arith.constant 96 : index
      %swap3A_91 = tpu.vector_load %arg8[%swap3A_89, %swap3A_90] {strides = array<i32>} : memref<128x128xf32, #tpu.memory_space<vmem>>, vector<1x16xf32>,
      %swap3A_92 = vector.shape_cast %swap3A_91 : vector<1x16xf32> to vector<16xf32>
      %swap3A_93 = vector.shape_cast %broadcast_in_dim3A_15 : vector<16xf32> to vector<1x16xf32>
      tpu.vector_store %arg8[%swap3A_89, %swap3A_90], %swap3A_93 {strides = array<i32>} : memref<128x128xf32, #tpu.memory_space<vmem>>, vector<1x16xf32>,
      %swap3A_94 = arith.index_cast %scan3A_58 : i32 to index
      %swap3A_95 = arith.constant 112 : index
      %swap3A_96 = tpu.vector_load %arg8[%swap3A_94, %swap3A_95] {strides = array<i32>} : memref<128x128xf32, #tpu.memory_space<vmem>>, vector<1x16xf32>,
      %swap3A_97 = vector.shape_cast %swap3A_96 : vector<1x16xf32> to vector<16xf32>
      %swap3A_98 = vector.shape_cast %broadcast_in_dim3A_15 : vector<16xf32> to vector<1x16xf32>
      tpu.vector_store %arg8[%swap3A_94, %swap3A_95], %swap3A_98 {strides = array<i32>} : memref<128x128xf32, #tpu.memory_space<vmem>>, vector<1x16xf32>,
      %scan3A_99 = arith.constant 0 : i32
      scf.yield %scan3A_99 : i32
    }
    %scan3A_21 = arith.constant 128 : i32
    %mul3A_22 = arith.constant 640 : i32
    %mul3A_23 = arith.muli %arg1, %mul3A_22 : i32
    %add3A_24 = arith.constant 0 : i32
    %add3A_25 = arith.addi %mul3A_23, %add3A_24 : i32
    "tpu.region"() ({
      %run_scoped3A = tpu.sem_alloc : memref<!tpu.dma_semaphore, #tpu.memory_space<semaphore_mem>>
      %dma_start3A = arith.constant 0 : i32
      %dma_start3A_58 = tpu.memref_slice %arg10[%add3A_25, %dma_start3A] : memref<10240x128xf32, #tpu.memory_space<vmem_shared>> -> memref<128x128xf32, #tpu.memory_space<vmem_shared>>
      %dma_start3A_59 = arith.constant 0 : i32
      %dma_start3A_60 = tpu.memref_slice %arg10[%add3A_25, %dma_start3A_59] : memref<10240x128xf32, #tpu.memory_space<vmem_shared>> -> memref<128x128xf32, #tpu.memory_space<vmem_shared>>
      tpu.enqueue_dma source(%arg8 : memref<128x128xf32, #tpu.memory_space<vmem>>) target(%dma_start3A_60 : memref<128x128xf32, #tpu.memory_space<vmem_shared>>) target_semaphore(%run_scoped3A : memref<!tpu.dma_semaphore, #tpu.memory_space<semaphore_mem>>)
      %dma_wait3A = arith.constant 0 : i32
      %dma_wait3A_61 = tpu.memref_slice %arg10[%add3A_25, %dma_wait3A] : memref<10240x128xf32, #tpu.memory_space<vmem_shared>> -> memref<128x128xf32, #tpu.memory_space<vmem_shared>>
      %dma_wait3A_62 = arith.constant 0 : i32
      %dma_wait3A_63 = tpu.memref_slice %arg10[%add3A_25, %dma_wait3A_62] : memref<10240x128xf32, #tpu.memory_space<vmem_shared>> -> memref<128x128xf32, #tpu.memory_space<vmem_shared>>
      tpu.wait_dma2 semaphore(%run_scoped3A : memref<!tpu.dma_semaphore, #tpu.memory_space<semaphore_mem>>) src(%arg8 : memref<128x128xf32, #tpu.memory_space<vmem>>) dst(%dma_wait3A_63 : memref<128x128xf32, #tpu.memory_space<vmem_shared>>)
      tpu.yield
    }) : () -> ()
    %mul3A_26 = arith.constant 640 : i32
    %mul3A_27 = arith.muli %arg1, %mul3A_26 : i32
    %add3A_28 = arith.constant 128 : i32
    %add3A_29 = arith.addi %mul3A_27, %add3A_28 : i32
    "tpu.region"() ({
      %run_scoped3A = tpu.sem_alloc : memref<!tpu.dma_semaphore, #tpu.memory_space<semaphore_mem>>
      %dma_start3A = arith.constant 0 : i32
      %dma_start3A_58 = tpu.memref_slice %arg10[%add3A_29, %dma_start3A] : memref<10240x128xf32, #tpu.memory_space<vmem_shared>> -> memref<128x128xf32, #tpu.memory_space<vmem_shared>>
      %dma_start3A_59 = arith.constant 0 : i32
      %dma_start3A_60 = tpu.memref_slice %arg10[%add3A_29, %dma_start3A_59] : memref<10240x128xf32, #tpu.memory_space<vmem_shared>> -> memref<128x128xf32, #tpu.memory_space<vmem_shared>>
      tpu.enqueue_dma source(%arg8 : memref<128x128xf32, #tpu.memory_space<vmem>>) target(%dma_start3A_60 : memref<128x128xf32, #tpu.memory_space<vmem_shared>>) target_semaphore(%run_scoped3A : memref<!tpu.dma_semaphore, #tpu.memory_space<semaphore_mem>>)
      %dma_wait3A = arith.constant 0 : i32
      %dma_wait3A_61 = tpu.memref_slice %arg10[%add3A_29, %dma_wait3A] : memref<10240x128xf32, #tpu.memory_space<vmem_shared>> -> memref<128x128xf32, #tpu.memory_space<vmem_shared>>
      %dma_wait3A_62 = arith.constant 0 : i32
      %dma_wait3A_63 = tpu.memref_slice %arg10[%add3A_29, %dma_wait3A_62] : memref<10240x128xf32, #tpu.memory_space<vmem_shared>> -> memref<128x128xf32, #tpu.memory_space<vmem_shared>>
      tpu.wait_dma2 semaphore(%run_scoped3A : memref<!tpu.dma_semaphore, #tpu.memory_space<semaphore_mem>>) src(%arg8 : memref<128x128xf32, #tpu.memory_space<vmem>>) dst(%dma_wait3A_63 : memref<128x128xf32, #tpu.memory_space<vmem_shared>>)
      tpu.yield
    }) : () -> ()
    %mul3A_30 = arith.constant 640 : i32
    %mul3A_31 = arith.muli %arg1, %mul3A_30 : i32
    %add3A_32 = arith.constant 256 : i32
    %add3A_33 = arith.addi %mul3A_31, %add3A_32 : i32
    "tpu.region"() ({
      %run_scoped3A = tpu.sem_alloc : memref<!tpu.dma_semaphore, #tpu.memory_space<semaphore_mem>>
      %dma_start3A = arith.constant 0 : i32
      %dma_start3A_58 = tpu.memref_slice %arg10[%add3A_33, %dma_start3A] : memref<10240x128xf32, #tpu.memory_space<vmem_shared>> -> memref<128x128xf32, #tpu.memory_space<vmem_shared>>
      %dma_start3A_59 = arith.constant 0 : i32
      %dma_start3A_60 = tpu.memref_slice %arg10[%add3A_33, %dma_start3A_59] : memref<10240x128xf32, #tpu.memory_space<vmem_shared>> -> memref<128x128xf32, #tpu.memory_space<vmem_shared>>
      tpu.enqueue_dma source(%arg8 : memref<128x128xf32, #tpu.memory_space<vmem>>) target(%dma_start3A_60 : memref<128x128xf32, #tpu.memory_space<vmem_shared>>) target_semaphore(%run_scoped3A : memref<!tpu.dma_semaphore, #tpu.memory_space<semaphore_mem>>)
      %dma_wait3A = arith.constant 0 : i32
      %dma_wait3A_61 = tpu.memref_slice %arg10[%add3A_33, %dma_wait3A] : memref<10240x128xf32, #tpu.memory_space<vmem_shared>> -> memref<128x128xf32, #tpu.memory_space<vmem_shared>>
      %dma_wait3A_62 = arith.constant 0 : i32
      %dma_wait3A_63 = tpu.memref_slice %arg10[%add3A_33, %dma_wait3A_62] : memref<10240x128xf32, #tpu.memory_space<vmem_shared>> -> memref<128x128xf32, #tpu.memory_space<vmem_shared>>
      tpu.wait_dma2 semaphore(%run_scoped3A : memref<!tpu.dma_semaphore, #tpu.memory_space<semaphore_mem>>) src(%arg8 : memref<128x128xf32, #tpu.memory_space<vmem>>) dst(%dma_wait3A_63 : memref<128x128xf32, #tpu.memory_space<vmem_shared>>)
      tpu.yield
    }) : () -> ()
    %mul3A_34 = arith.constant 640 : i32
    %mul3A_35 = arith.muli %arg1, %mul3A_34 : i32
    %add3A_36 = arith.constant 384 : i32
    %add3A_37 = arith.addi %mul3A_35, %add3A_36 : i32
    "tpu.region"() ({
      %run_scoped3A = tpu.sem_alloc : memref<!tpu.dma_semaphore, #tpu.memory_space<semaphore_mem>>
      %dma_start3A = arith.constant 0 : i32
      %dma_start3A_58 = tpu.memref_slice %arg10[%add3A_37, %dma_start3A] : memref<10240x128xf32, #tpu.memory_space<vmem_shared>> -> memref<128x128xf32, #tpu.memory_space<vmem_shared>>
      %dma_start3A_59 = arith.constant 0 : i32
      %dma_start3A_60 = tpu.memref_slice %arg10[%add3A_37, %dma_start3A_59] : memref<10240x128xf32, #tpu.memory_space<vmem_shared>> -> memref<128x128xf32, #tpu.memory_space<vmem_shared>>
      tpu.enqueue_dma source(%arg8 : memref<128x128xf32, #tpu.memory_space<vmem>>) target(%dma_start3A_60 : memref<128x128xf32, #tpu.memory_space<vmem_shared>>) target_semaphore(%run_scoped3A : memref<!tpu.dma_semaphore, #tpu.memory_space<semaphore_mem>>)
      %dma_wait3A = arith.constant 0 : i32
      %dma_wait3A_61 = tpu.memref_slice %arg10[%add3A_37, %dma_wait3A] : memref<10240x128xf32, #tpu.memory_space<vmem_shared>> -> memref<128x128xf32, #tpu.memory_space<vmem_shared>>
      %dma_wait3A_62 = arith.constant 0 : i32
      %dma_wait3A_63 = tpu.memref_slice %arg10[%add3A_37, %dma_wait3A_62] : memref<10240x128xf32, #tpu.memory_space<vmem_shared>> -> memref<128x128xf32, #tpu.memory_space<vmem_shared>>
      tpu.wait_dma2 semaphore(%run_scoped3A : memref<!tpu.dma_semaphore, #tpu.memory_space<semaphore_mem>>) src(%arg8 : memref<128x128xf32, #tpu.memory_space<vmem>>) dst(%dma_wait3A_63 : memref<128x128xf32, #tpu.memory_space<vmem_shared>>)
      tpu.yield
    }) : () -> ()
    %mul3A_38 = arith.constant 640 : i32
    %mul3A_39 = arith.muli %arg1, %mul3A_38 : i32
    %add3A_40 = arith.constant 512 : i32
    %add3A_41 = arith.addi %mul3A_39, %add3A_40 : i32
    "tpu.region"() ({
      %run_scoped3A = tpu.sem_alloc : memref<!tpu.dma_semaphore, #tpu.memory_space<semaphore_mem>>
      %dma_start3A = arith.constant 0 : i32
      %dma_start3A_58 = tpu.memref_slice %arg10[%add3A_41, %dma_start3A] : memref<10240x128xf32, #tpu.memory_space<vmem_shared>> -> memref<128x128xf32, #tpu.memory_space<vmem_shared>>
      %dma_start3A_59 = arith.constant 0 : i32
      %dma_start3A_60 = tpu.memref_slice %arg10[%add3A_41, %dma_start3A_59] : memref<10240x128xf32, #tpu.memory_space<vmem_shared>> -> memref<128x128xf32, #tpu.memory_space<vmem_shared>>
      tpu.enqueue_dma source(%arg8 : memref<128x128xf32, #tpu.memory_space<vmem>>) target(%dma_start3A_60 : memref<128x128xf32, #tpu.memory_space<vmem_shared>>) target_semaphore(%run_scoped3A : memref<!tpu.dma_semaphore, #tpu.memory_space<semaphore_mem>>)
      %dma_wait3A = arith.constant 0 : i32
      %dma_wait3A_61 = tpu.memref_slice %arg10[%add3A_41, %dma_wait3A] : memref<10240x128xf32, #tpu.memory_space<vmem_shared>> -> memref<128x128xf32, #tpu.memory_space<vmem_shared>>
      %dma_wait3A_62 = arith.constant 0 : i32
      %dma_wait3A_63 = tpu.memref_slice %arg10[%add3A_41, %dma_wait3A_62] : memref<10240x128xf32, #tpu.memory_space<vmem_shared>> -> memref<128x128xf32, #tpu.memory_space<vmem_shared>>
      tpu.wait_dma2 semaphore(%run_scoped3A : memref<!tpu.dma_semaphore, #tpu.memory_space<semaphore_mem>>) src(%arg8 : memref<128x128xf32, #tpu.memory_space<vmem>>) dst(%dma_wait3A_63 : memref<128x128xf32, #tpu.memory_space<vmem_shared>>)
      tpu.yield
    }) : () -> ()
    %barrier3A = arith.constant 0 : index
    tpu.barrier barrier_id(%barrier3A)
    %while3A = arith.constant 0 : i32
    %while3A_42 = arith.constant 0 : i32
    %while3A_43 = arith.subi %add3A_14, %while3A : i32
    %while3A_44 = arith.addi %while3A, %while3A_43 : i32
    %while3A_45 = arith.constant 1 : i32
    %while3A_46 = arith.divsi %while3A_43, %while3A_45 : i32
    %while3A_47 = arith.muli %while3A_46, %while3A_45 : i32
    %while3A_48 = arith.addi %while3A, %while3A_47 : i32
    %while3A_49 = arith.constant 1 : i32
    %while3A_50 = scf.for %while3A_58 = %while3A to %while3A_48 step %while3A_49 iter_args(%while3A_59 = %while3A_42) -> (i32)  : i32 {
      %mul3A_60 = arith.constant 32 : i32
      %mul3A_61 = arith.muli %while3A_58, %mul3A_60 : i32
      %add3A_62 = arith.addi %add3A_7, %mul3A_61 : i32
      "tpu.region"() ({
        %run_scoped3A = tpu.sem_alloc : memref<!tpu.dma_semaphore, #tpu.memory_space<semaphore_mem>>
        %dma_start3A = arith.constant 0 : i32
        %dma_start3A_71 = tpu.memref_slice %arg3[%add3A_62, %dma_start3A] : memref<2560x128xi32, #tpu.memory_space<hbm>> -> memref<32x128xi32, #tpu.memory_space<hbm>>
        %dma_start3A_72 = arith.constant 0 : i32
        %dma_start3A_73 = tpu.memref_slice %arg3[%add3A_62, %dma_start3A_72] : memref<2560x128xi32, #tpu.memory_space<hbm>> -> memref<32x128xi32, #tpu.memory_space<hbm>>
        tpu.enqueue_dma source(%dma_start3A_73 : memref<32x128xi32, #tpu.memory_space<hbm>>) target(%arg6 : memref<32x128xi32, #tpu.memory_space<vmem>>) target_semaphore(%run_scoped3A : memref<!tpu.dma_semaphore, #tpu.memory_space<semaphore_mem>>)
        %dma_wait3A = arith.constant 0 : i32
        %dma_wait3A_74 = tpu.memref_slice %arg3[%add3A_62, %dma_wait3A] : memref<2560x128xi32, #tpu.memory_space<hbm>> -> memref<32x128xi32, #tpu.memory_space<hbm>>
        %dma_wait3A_75 = arith.constant 0 : i32
        %dma_wait3A_76 = tpu.memref_slice %arg3[%add3A_62, %dma_wait3A_75] : memref<2560x128xi32, #tpu.memory_space<hbm>> -> memref<32x128xi32, #tpu.memory_space<hbm>>
        tpu.wait_dma2 semaphore(%run_scoped3A : memref<!tpu.dma_semaphore, #tpu.memory_space<semaphore_mem>>) src(%dma_wait3A_76 : memref<32x128xi32, #tpu.memory_space<hbm>>) dst(%arg6 : memref<32x128xi32, #tpu.memory_space<vmem>>)
        tpu.yield
      }) : () -> ()
      "tpu.region"() ({
        %run_scoped3A = tpu.sem_alloc : memref<!tpu.dma_semaphore, #tpu.memory_space<semaphore_mem>>
        %dma_start3A = arith.constant 0 : i32
        %dma_start3A_71 = tpu.memref_slice %arg4[%add3A_62, %dma_start3A] : memref<2560x128xi32, #tpu.memory_space<hbm>> -> memref<32x128xi32, #tpu.memory_space<hbm>>
        %dma_start3A_72 = arith.constant 0 : i32
        %dma_start3A_73 = tpu.memref_slice %arg4[%add3A_62, %dma_start3A_72] : memref<2560x128xi32, #tpu.memory_space<hbm>> -> memref<32x128xi32, #tpu.memory_space<hbm>>
        tpu.enqueue_dma source(%dma_start3A_73 : memref<32x128xi32, #tpu.memory_space<hbm>>) target(%arg7 : memref<32x128xi32, #tpu.memory_space<vmem>>) target_semaphore(%run_scoped3A : memref<!tpu.dma_semaphore, #tpu.memory_space<semaphore_mem>>)
        %dma_wait3A = arith.constant 0 : i32
        %dma_wait3A_74 = tpu.memref_slice %arg4[%add3A_62, %dma_wait3A] : memref<2560x128xi32, #tpu.memory_space<hbm>> -> memref<32x128xi32, #tpu.memory_space<hbm>>
        %dma_wait3A_75 = arith.constant 0 : i32
        %dma_wait3A_76 = tpu.memref_slice %arg4[%add3A_62, %dma_wait3A_75] : memref<2560x128xi32, #tpu.memory_space<hbm>> -> memref<32x128xi32, #tpu.memory_space<hbm>>
        tpu.wait_dma2 semaphore(%run_scoped3A : memref<!tpu.dma_semaphore, #tpu.memory_space<semaphore_mem>>) src(%dma_wait3A_76 : memref<32x128xi32, #tpu.memory_space<hbm>>) dst(%arg7 : memref<32x128xi32, #tpu.memory_space<vmem>>)
        tpu.yield
      }) : () -> ()
      %scan3A_63 = arith.constant 0 : i32
      %scan3A_64 = arith.constant 0 : i32
      %scan3A_65 = arith.constant 16 : i32
      %scan3A_66 = arith.addi %scan3A_64, %scan3A_65 : i32
      %scan3A_67 = arith.constant 1 : i32
      %scan3A_68 = scf.for %scan3A_71 = %scan3A_64 to %scan3A_66 step %scan3A_67 iter_args(%scan3A_72 = %scan3A_63) -> (i32)  : i32 {
        %mul3A_73 = arith.constant 2 : i32
        %mul3A_74 = arith.muli %mul3A_73, %scan3A_71 : i32
        %dma_start3A = arith.constant 0 : i32
        %dma_start3A_75 = tpu.memref_slice %arg6[%mul3A_74, %dma_start3A] : memref<32x128xi32, #tpu.memory_space<vmem>> -> memref<1x128xi32, #tpu.memory_space<vmem>>
        %dma_start3A_76 = tpu.memref_squeeze %dma_start3A_75 : memref<1x128xi32, #tpu.memory_space<vmem>> -> memref<128xi32, #tpu.memory_space<vmem>>
        %dma_start3A_77 = arith.constant 0 : i32
        %dma_start3A_78 = arith.constant 0 : i32
        %dma_start3A_79 = tpu.memref_slice %arg2[%dma_start3A_77, %dma_start3A_78] : memref<10240x128xf32, #tpu.memory_space<hbm>> -> memref<10240x128xf32, #tpu.memory_space<hbm>>
        tpu.enqueue_indirect_dma source(%dma_start3A_79 : memref<10240x128xf32, #tpu.memory_space<hbm>>) target(%arg8 : memref<128x128xf32, #tpu.memory_space<vmem>>) offsets(%dma_start3A_76 : memref<128xi32, #tpu.memory_space<vmem>>) semaphore(%arg11 : memref<!tpu.dma_semaphore, #tpu.memory_space<semaphore_mem>>)
        %add3A_80 = arith.constant 1 : i32
        %add3A_81 = arith.addi %mul3A_74, %add3A_80 : i32
        %dma_start3A_82 = arith.constant 0 : i32
        %dma_start3A_83 = tpu.memref_slice %arg6[%add3A_81, %dma_start3A_82] : memref<32x128xi32, #tpu.memory_space<vmem>> -> memref<1x128xi32, #tpu.memory_space<vmem>>
        %dma_start3A_84 = tpu.memref_squeeze %dma_start3A_83 : memref<1x128xi32, #tpu.memory_space<vmem>> -> memref<128xi32, #tpu.memory_space<vmem>>
        %dma_start3A_85 = arith.constant 0 : i32
        %dma_start3A_86 = arith.constant 0 : i32
        %dma_start3A_87 = tpu.memref_slice %arg2[%dma_start3A_85, %dma_start3A_86] : memref<10240x128xf32, #tpu.memory_space<hbm>> -> memref<10240x128xf32, #tpu.memory_space<hbm>>
        tpu.enqueue_indirect_dma source(%dma_start3A_87 : memref<10240x128xf32, #tpu.memory_space<hbm>>) target(%arg9 : memref<128x128xf32, #tpu.memory_space<vmem>>) offsets(%dma_start3A_84 : memref<128xi32, #tpu.memory_space<vmem>>) semaphore(%arg12 : memref<!tpu.dma_semaphore, #tpu.memory_space<semaphore_mem>>)
        %dma_wait3A = arith.constant 0 : i32
        %dma_wait3A_88 = tpu.memref_slice %arg6[%mul3A_74, %dma_wait3A] : memref<32x128xi32, #tpu.memory_space<vmem>> -> memref<1x128xi32, #tpu.memory_space<vmem>>
        %dma_wait3A_89 = tpu.memref_squeeze %dma_wait3A_88 : memref<1x128xi32, #tpu.memory_space<vmem>> -> memref<128xi32, #tpu.memory_space<vmem>>
        %dma_wait3A_90 = arith.constant 0 : i32
        %dma_wait3A_91 = arith.constant 0 : i32
        %dma_wait3A_92 = tpu.memref_slice %arg2[%dma_wait3A_90, %dma_wait3A_91] : memref<10240x128xf32, #tpu.memory_space<hbm>> -> memref<10240x128xf32, #tpu.memory_space<hbm>>
        tpu.wait_indirect_dma semaphore(%arg11 : memref<!tpu.dma_semaphore, #tpu.memory_space<semaphore_mem>>) src(%dma_wait3A_92 : memref<10240x128xf32, #tpu.memory_space<hbm>>) dst(%arg8 : memref<128x128xf32, #tpu.memory_space<vmem>>)
        "tpu.region"() ({
          %run_scoped3A = tpu.sem_alloc : memref<!tpu.dma_semaphore, #tpu.memory_space<semaphore_mem>>
          %dma_start3A_102 = arith.constant 0 : i32
          %dma_start3A_103 = tpu.memref_slice %arg7[%mul3A_74, %dma_start3A_102] : memref<32x128xi32, #tpu.memory_space<vmem>> -> memref<1x128xi32, #tpu.memory_space<vmem>>
          %dma_start3A_104 = tpu.memref_squeeze %dma_start3A_103 : memref<1x128xi32, #tpu.memory_space<vmem>> -> memref<128xi32, #tpu.memory_space<vmem>>
          %dma_start3A_105 = arith.constant 0 : i32
          %dma_start3A_106 = arith.constant 0 : i32
          %dma_start3A_107 = tpu.memref_slice %arg10[%dma_start3A_105, %dma_start3A_106] : memref<10240x128xf32, #tpu.memory_space<vmem_shared>> -> memref<10240x128xf32, #tpu.memory_space<vmem_shared>>
          tpu.enqueue_indirect_dma source(%arg8 : memref<128x128xf32, #tpu.memory_space<vmem>>) target(%dma_start3A_107 : memref<10240x128xf32, #tpu.memory_space<vmem_shared>>) offsets(%dma_start3A_104 : memref<128xi32, #tpu.memory_space<vmem>>) semaphore(%run_scoped3A : memref<!tpu.dma_semaphore, #tpu.memory_space<semaphore_mem>>) {add = true}
          %dma_wait3A_108 = arith.constant 0 : i32
          %dma_wait3A_109 = tpu.memref_slice %arg7[%mul3A_74, %dma_wait3A_108] : memref<32x128xi32, #tpu.memory_space<vmem>> -> memref<1x128xi32, #tpu.memory_space<vmem>>
          %dma_wait3A_110 = tpu.memref_squeeze %dma_wait3A_109 : memref<1x128xi32, #tpu.memory_space<vmem>> -> memref<128xi32, #tpu.memory_space<vmem>>
          %dma_wait3A_111 = arith.constant 0 : i32
          %dma_wait3A_112 = arith.constant 0 : i32
          %dma_wait3A_113 = tpu.memref_slice %arg10[%dma_wait3A_111, %dma_wait3A_112] : memref<10240x128xf32, #tpu.memory_space<vmem_shared>> -> memref<10240x128xf32, #tpu.memory_space<vmem_shared>>
          tpu.wait_indirect_dma semaphore(%run_scoped3A : memref<!tpu.dma_semaphore, #tpu.memory_space<semaphore_mem>>) src(%arg8 : memref<128x128xf32, #tpu.memory_space<vmem>>) dst(%dma_wait3A_113 : memref<10240x128xf32, #tpu.memory_space<vmem_shared>>)
          tpu.yield
        }) : () -> ()
        %dma_wait3A_93 = arith.constant 0 : i32
        %dma_wait3A_94 = tpu.memref_slice %arg6[%add3A_81, %dma_wait3A_93] : memref<32x128xi32, #tpu.memory_space<vmem>> -> memref<1x128xi32, #tpu.memory_space<vmem>>
        %dma_wait3A_95 = tpu.memref_squeeze %dma_wait3A_94 : memref<1x128xi32, #tpu.memory_space<vmem>> -> memref<128xi32, #tpu.memory_space<vmem>>
        %dma_wait3A_96 = arith.constant 0 : i32
        %dma_wait3A_97 = arith.constant 0 : i32
        %dma_wait3A_98 = tpu.memref_slice %arg2[%dma_wait3A_96, %dma_wait3A_97] : memref<10240x128xf32, #tpu.memory_space<hbm>> -> memref<10240x128xf32, #tpu.memory_space<hbm>>
        tpu.wait_indirect_dma semaphore(%arg12 : memref<!tpu.dma_semaphore, #tpu.memory_space<semaphore_mem>>) src(%dma_wait3A_98 : memref<10240x128xf32, #tpu.memory_space<hbm>>) dst(%arg9 : memref<128x128xf32, #tpu.memory_space<vmem>>)
        %add3A_99 = arith.constant 1 : i32
        %add3A_100 = arith.addi %mul3A_74, %add3A_99 : i32
        "tpu.region"() ({
          %run_scoped3A = tpu.sem_alloc : memref<!tpu.dma_semaphore, #tpu.memory_space<semaphore_mem>>
          %dma_start3A_102 = arith.constant 0 : i32
          %dma_start3A_103 = tpu.memref_slice %arg7[%add3A_100, %dma_start3A_102] : memref<32x128xi32, #tpu.memory_space<vmem>> -> memref<1x128xi32, #tpu.memory_space<vmem>>
          %dma_start3A_104 = tpu.memref_squeeze %dma_start3A_103 : memref<1x128xi32, #tpu.memory_space<vmem>> -> memref<128xi32, #tpu.memory_space<vmem>>
          %dma_start3A_105 = arith.constant 0 : i32
          %dma_start3A_106 = arith.constant 0 : i32
          %dma_start3A_107 = tpu.memref_slice %arg10[%dma_start3A_105, %dma_start3A_106] : memref<10240x128xf32, #tpu.memory_space<vmem_shared>> -> memref<10240x128xf32, #tpu.memory_space<vmem_shared>>
          tpu.enqueue_indirect_dma source(%arg9 : memref<128x128xf32, #tpu.memory_space<vmem>>) target(%dma_start3A_107 : memref<10240x128xf32, #tpu.memory_space<vmem_shared>>) offsets(%dma_start3A_104 : memref<128xi32, #tpu.memory_space<vmem>>) semaphore(%run_scoped3A : memref<!tpu.dma_semaphore, #tpu.memory_space<semaphore_mem>>) {add = true}
          %dma_wait3A_108 = arith.constant 0 : i32
          %dma_wait3A_109 = tpu.memref_slice %arg7[%add3A_100, %dma_wait3A_108] : memref<32x128xi32, #tpu.memory_space<vmem>> -> memref<1x128xi32, #tpu.memory_space<vmem>>
          %dma_wait3A_110 = tpu.memref_squeeze %dma_wait3A_109 : memref<1x128xi32, #tpu.memory_space<vmem>> -> memref<128xi32, #tpu.memory_space<vmem>>
          %dma_wait3A_111 = arith.constant 0 : i32
          %dma_wait3A_112 = arith.constant 0 : i32
          %dma_wait3A_113 = tpu.memref_slice %arg10[%dma_wait3A_111, %dma_wait3A_112] : memref<10240x128xf32, #tpu.memory_space<vmem_shared>> -> memref<10240x128xf32, #tpu.memory_space<vmem_shared>>
          tpu.wait_indirect_dma semaphore(%run_scoped3A : memref<!tpu.dma_semaphore, #tpu.memory_space<semaphore_mem>>) src(%arg9 : memref<128x128xf32, #tpu.memory_space<vmem>>) dst(%dma_wait3A_113 : memref<10240x128xf32, #tpu.memory_space<vmem_shared>>)
          tpu.yield
        }) : () -> ()
        %scan3A_101 = arith.constant 0 : i32
        scf.yield %scan3A_101 : i32
      }
      %scan3A_69 = arith.constant 16 : i32
      %while3A_70 = arith.constant 0 : i32
      scf.yield %while3A_70 : i32
    }
    %while3A_51 = arith.constant 1 : i32
    %while3A_52 = scf.for %while3A_58 = %while3A_48 to %while3A_44 step %while3A_51 iter_args(%while3A_59 = %while3A_50) -> (i32)  : i32 {
      %mul3A_60 = arith.constant 32 : i32
      %mul3A_61 = arith.muli %while3A_58, %mul3A_60 : i32
      %add3A_62 = arith.addi %add3A_7, %mul3A_61 : i32
      "tpu.region"() ({
        %run_scoped3A = tpu.sem_alloc : memref<!tpu.dma_semaphore, #tpu.memory_space<semaphore_mem>>
        %dma_start3A = arith.constant 0 : i32
        %dma_start3A_71 = tpu.memref_slice %arg3[%add3A_62, %dma_start3A] : memref<2560x128xi32, #tpu.memory_space<hbm>> -> memref<32x128xi32, #tpu.memory_space<hbm>>
        %dma_start3A_72 = arith.constant 0 : i32
        %dma_start3A_73 = tpu.memref_slice %arg3[%add3A_62, %dma_start3A_72] : memref<2560x128xi32, #tpu.memory_space<hbm>> -> memref<32x128xi32, #tpu.memory_space<hbm>>
        tpu.enqueue_dma source(%dma_start3A_73 : memref<32x128xi32, #tpu.memory_space<hbm>>) target(%arg6 : memref<32x128xi32, #tpu.memory_space<vmem>>) target_semaphore(%run_scoped3A : memref<!tpu.dma_semaphore, #tpu.memory_space<semaphore_mem>>)
        %dma_wait3A = arith.constant 0 : i32
        %dma_wait3A_74 = tpu.memref_slice %arg3[%add3A_62, %dma_wait3A] : memref<2560x128xi32, #tpu.memory_space<hbm>> -> memref<32x128xi32, #tpu.memory_space<hbm>>
        %dma_wait3A_75 = arith.constant 0 : i32
        %dma_wait3A_76 = tpu.memref_slice %arg3[%add3A_62, %dma_wait3A_75] : memref<2560x128xi32, #tpu.memory_space<hbm>> -> memref<32x128xi32, #tpu.memory_space<hbm>>
        tpu.wait_dma2 semaphore(%run_scoped3A : memref<!tpu.dma_semaphore, #tpu.memory_space<semaphore_mem>>) src(%dma_wait3A_76 : memref<32x128xi32, #tpu.memory_space<hbm>>) dst(%arg6 : memref<32x128xi32, #tpu.memory_space<vmem>>)
        tpu.yield
      }) : () -> ()
      "tpu.region"() ({
        %run_scoped3A = tpu.sem_alloc : memref<!tpu.dma_semaphore, #tpu.memory_space<semaphore_mem>>
        %dma_start3A = arith.constant 0 : i32
        %dma_start3A_71 = tpu.memref_slice %arg4[%add3A_62, %dma_start3A] : memref<2560x128xi32, #tpu.memory_space<hbm>> -> memref<32x128xi32, #tpu.memory_space<hbm>>
        %dma_start3A_72 = arith.constant 0 : i32
        %dma_start3A_73 = tpu.memref_slice %arg4[%add3A_62, %dma_start3A_72] : memref<2560x128xi32, #tpu.memory_space<hbm>> -> memref<32x128xi32, #tpu.memory_space<hbm>>
        tpu.enqueue_dma source(%dma_start3A_73 : memref<32x128xi32, #tpu.memory_space<hbm>>) target(%arg7 : memref<32x128xi32, #tpu.memory_space<vmem>>) target_semaphore(%run_scoped3A : memref<!tpu.dma_semaphore, #tpu.memory_space<semaphore_mem>>)
        %dma_wait3A = arith.constant 0 : i32
        %dma_wait3A_74 = tpu.memref_slice %arg4[%add3A_62, %dma_wait3A] : memref<2560x128xi32, #tpu.memory_space<hbm>> -> memref<32x128xi32, #tpu.memory_space<hbm>>
        %dma_wait3A_75 = arith.constant 0 : i32
        %dma_wait3A_76 = tpu.memref_slice %arg4[%add3A_62, %dma_wait3A_75] : memref<2560x128xi32, #tpu.memory_space<hbm>> -> memref<32x128xi32, #tpu.memory_space<hbm>>
        tpu.wait_dma2 semaphore(%run_scoped3A : memref<!tpu.dma_semaphore, #tpu.memory_space<semaphore_mem>>) src(%dma_wait3A_76 : memref<32x128xi32, #tpu.memory_space<hbm>>) dst(%arg7 : memref<32x128xi32, #tpu.memory_space<vmem>>)
        tpu.yield
      }) : () -> ()
      %scan3A_63 = arith.constant 0 : i32
      %scan3A_64 = arith.constant 0 : i32
      %scan3A_65 = arith.constant 16 : i32
      %scan3A_66 = arith.addi %scan3A_64, %scan3A_65 : i32
      %scan3A_67 = arith.constant 1 : i32
      %scan3A_68 = scf.for %scan3A_71 = %scan3A_64 to %scan3A_66 step %scan3A_67 iter_args(%scan3A_72 = %scan3A_63) -> (i32)  : i32 {
        %mul3A_73 = arith.constant 2 : i32
        %mul3A_74 = arith.muli %mul3A_73, %scan3A_71 : i32
        %dma_start3A = arith.constant 0 : i32
        %dma_start3A_75 = tpu.memref_slice %arg6[%mul3A_74, %dma_start3A] : memref<32x128xi32, #tpu.memory_space<vmem>> -> memref<1x128xi32, #tpu.memory_space<vmem>>
        %dma_start3A_76 = tpu.memref_squeeze %dma_start3A_75 : memref<1x128xi32, #tpu.memory_space<vmem>> -> memref<128xi32, #tpu.memory_space<vmem>>
        %dma_start3A_77 = arith.constant 0 : i32
        %dma_start3A_78 = arith.constant 0 : i32
        %dma_start3A_79 = tpu.memref_slice %arg2[%dma_start3A_77, %dma_start3A_78] : memref<10240x128xf32, #tpu.memory_space<hbm>> -> memref<10240x128xf32, #tpu.memory_space<hbm>>
        tpu.enqueue_indirect_dma source(%dma_start3A_79 : memref<10240x128xf32, #tpu.memory_space<hbm>>) target(%arg8 : memref<128x128xf32, #tpu.memory_space<vmem>>) offsets(%dma_start3A_76 : memref<128xi32, #tpu.memory_space<vmem>>) semaphore(%arg11 : memref<!tpu.dma_semaphore, #tpu.memory_space<semaphore_mem>>)
        %add3A_80 = arith.constant 1 : i32
        %add3A_81 = arith.addi %mul3A_74, %add3A_80 : i32
        %dma_start3A_82 = arith.constant 0 : i32
        %dma_start3A_83 = tpu.memref_slice %arg6[%add3A_81, %dma_start3A_82] : memref<32x128xi32, #tpu.memory_space<vmem>> -> memref<1x128xi32, #tpu.memory_space<vmem>>
        %dma_start3A_84 = tpu.memref_squeeze %dma_start3A_83 : memref<1x128xi32, #tpu.memory_space<vmem>> -> memref<128xi32, #tpu.memory_space<vmem>>
        %dma_start3A_85 = arith.constant 0 : i32
        %dma_start3A_86 = arith.constant 0 : i32
        %dma_start3A_87 = tpu.memref_slice %arg2[%dma_start3A_85, %dma_start3A_86] : memref<10240x128xf32, #tpu.memory_space<hbm>> -> memref<10240x128xf32, #tpu.memory_space<hbm>>
        tpu.enqueue_indirect_dma source(%dma_start3A_87 : memref<10240x128xf32, #tpu.memory_space<hbm>>) target(%arg9 : memref<128x128xf32, #tpu.memory_space<vmem>>) offsets(%dma_start3A_84 : memref<128xi32, #tpu.memory_space<vmem>>) semaphore(%arg12 : memref<!tpu.dma_semaphore, #tpu.memory_space<semaphore_mem>>)
        %dma_wait3A = arith.constant 0 : i32
        %dma_wait3A_88 = tpu.memref_slice %arg6[%mul3A_74, %dma_wait3A] : memref<32x128xi32, #tpu.memory_space<vmem>> -> memref<1x128xi32, #tpu.memory_space<vmem>>
        %dma_wait3A_89 = tpu.memref_squeeze %dma_wait3A_88 : memref<1x128xi32, #tpu.memory_space<vmem>> -> memref<128xi32, #tpu.memory_space<vmem>>
        %dma_wait3A_90 = arith.constant 0 : i32
        %dma_wait3A_91 = arith.constant 0 : i32
        %dma_wait3A_92 = tpu.memref_slice %arg2[%dma_wait3A_90, %dma_wait3A_91] : memref<10240x128xf32, #tpu.memory_space<hbm>> -> memref<10240x128xf32, #tpu.memory_space<hbm>>
        tpu.wait_indirect_dma semaphore(%arg11 : memref<!tpu.dma_semaphore, #tpu.memory_space<semaphore_mem>>) src(%dma_wait3A_92 : memref<10240x128xf32, #tpu.memory_space<hbm>>) dst(%arg8 : memref<128x128xf32, #tpu.memory_space<vmem>>)
        "tpu.region"() ({
          %run_scoped3A = tpu.sem_alloc : memref<!tpu.dma_semaphore, #tpu.memory_space<semaphore_mem>>
          %dma_start3A_102 = arith.constant 0 : i32
          %dma_start3A_103 = tpu.memref_slice %arg7[%mul3A_74, %dma_start3A_102] : memref<32x128xi32, #tpu.memory_space<vmem>> -> memref<1x128xi32, #tpu.memory_space<vmem>>
          %dma_start3A_104 = tpu.memref_squeeze %dma_start3A_103 : memref<1x128xi32, #tpu.memory_space<vmem>> -> memref<128xi32, #tpu.memory_space<vmem>>
          %dma_start3A_105 = arith.constant 0 : i32
          %dma_start3A_106 = arith.constant 0 : i32
          %dma_start3A_107 = tpu.memref_slice %arg10[%dma_start3A_105, %dma_start3A_106] : memref<10240x128xf32, #tpu.memory_space<vmem_shared>> -> memref<10240x128xf32, #tpu.memory_space<vmem_shared>>
          tpu.enqueue_indirect_dma source(%arg8 : memref<128x128xf32, #tpu.memory_space<vmem>>) target(%dma_start3A_107 : memref<10240x128xf32, #tpu.memory_space<vmem_shared>>) offsets(%dma_start3A_104 : memref<128xi32, #tpu.memory_space<vmem>>) semaphore(%run_scoped3A : memref<!tpu.dma_semaphore, #tpu.memory_space<semaphore_mem>>) {add = true}
          %dma_wait3A_108 = arith.constant 0 : i32
          %dma_wait3A_109 = tpu.memref_slice %arg7[%mul3A_74, %dma_wait3A_108] : memref<32x128xi32, #tpu.memory_space<vmem>> -> memref<1x128xi32, #tpu.memory_space<vmem>>
          %dma_wait3A_110 = tpu.memref_squeeze %dma_wait3A_109 : memref<1x128xi32, #tpu.memory_space<vmem>> -> memref<128xi32, #tpu.memory_space<vmem>>
          %dma_wait3A_111 = arith.constant 0 : i32
          %dma_wait3A_112 = arith.constant 0 : i32
          %dma_wait3A_113 = tpu.memref_slice %arg10[%dma_wait3A_111, %dma_wait3A_112] : memref<10240x128xf32, #tpu.memory_space<vmem_shared>> -> memref<10240x128xf32, #tpu.memory_space<vmem_shared>>
          tpu.wait_indirect_dma semaphore(%run_scoped3A : memref<!tpu.dma_semaphore, #tpu.memory_space<semaphore_mem>>) src(%arg8 : memref<128x128xf32, #tpu.memory_space<vmem>>) dst(%dma_wait3A_113 : memref<10240x128xf32, #tpu.memory_space<vmem_shared>>)
          tpu.yield
        }) : () -> ()
        %dma_wait3A_93 = arith.constant 0 : i32
        %dma_wait3A_94 = tpu.memref_slice %arg6[%add3A_81, %dma_wait3A_93] : memref<32x128xi32, #tpu.memory_space<vmem>> -> memref<1x128xi32, #tpu.memory_space<vmem>>
        %dma_wait3A_95 = tpu.memref_squeeze %dma_wait3A_94 : memref<1x128xi32, #tpu.memory_space<vmem>> -> memref<128xi32, #tpu.memory_space<vmem>>
        %dma_wait3A_96 = arith.constant 0 : i32
        %dma_wait3A_97 = arith.constant 0 : i32
        %dma_wait3A_98 = tpu.memref_slice %arg2[%dma_wait3A_96, %dma_wait3A_97] : memref<10240x128xf32, #tpu.memory_space<hbm>> -> memref<10240x128xf32, #tpu.memory_space<hbm>>
        tpu.wait_indirect_dma semaphore(%arg12 : memref<!tpu.dma_semaphore, #tpu.memory_space<semaphore_mem>>) src(%dma_wait3A_98 : memref<10240x128xf32, #tpu.memory_space<hbm>>) dst(%arg9 : memref<128x128xf32, #tpu.memory_space<vmem>>)
        %add3A_99 = arith.constant 1 : i32
        %add3A_100 = arith.addi %mul3A_74, %add3A_99 : i32
        "tpu.region"() ({
          %run_scoped3A = tpu.sem_alloc : memref<!tpu.dma_semaphore, #tpu.memory_space<semaphore_mem>>
          %dma_start3A_102 = arith.constant 0 : i32
          %dma_start3A_103 = tpu.memref_slice %arg7[%add3A_100, %dma_start3A_102] : memref<32x128xi32, #tpu.memory_space<vmem>> -> memref<1x128xi32, #tpu.memory_space<vmem>>
          %dma_start3A_104 = tpu.memref_squeeze %dma_start3A_103 : memref<1x128xi32, #tpu.memory_space<vmem>> -> memref<128xi32, #tpu.memory_space<vmem>>
          %dma_start3A_105 = arith.constant 0 : i32
          %dma_start3A_106 = arith.constant 0 : i32
          %dma_start3A_107 = tpu.memref_slice %arg10[%dma_start3A_105, %dma_start3A_106] : memref<10240x128xf32, #tpu.memory_space<vmem_shared>> -> memref<10240x128xf32, #tpu.memory_space<vmem_shared>>
          tpu.enqueue_indirect_dma source(%arg9 : memref<128x128xf32, #tpu.memory_space<vmem>>) target(%dma_start3A_107 : memref<10240x128xf32, #tpu.memory_space<vmem_shared>>) offsets(%dma_start3A_104 : memref<128xi32, #tpu.memory_space<vmem>>) semaphore(%run_scoped3A : memref<!tpu.dma_semaphore, #tpu.memory_space<semaphore_mem>>) {add = true}
          %dma_wait3A_108 = arith.constant 0 : i32
          %dma_wait3A_109 = tpu.memref_slice %arg7[%add3A_100, %dma_wait3A_108] : memref<32x128xi32, #tpu.memory_space<vmem>> -> memref<1x128xi32, #tpu.memory_space<vmem>>
          %dma_wait3A_110 = tpu.memref_squeeze %dma_wait3A_109 : memref<1x128xi32, #tpu.memory_space<vmem>> -> memref<128xi32, #tpu.memory_space<vmem>>
          %dma_wait3A_111 = arith.constant 0 : i32
          %dma_wait3A_112 = arith.constant 0 : i32
          %dma_wait3A_113 = tpu.memref_slice %arg10[%dma_wait3A_111, %dma_wait3A_112] : memref<10240x128xf32, #tpu.memory_space<vmem_shared>> -> memref<10240x128xf32, #tpu.memory_space<vmem_shared>>
          tpu.wait_indirect_dma semaphore(%run_scoped3A : memref<!tpu.dma_semaphore, #tpu.memory_space<semaphore_mem>>) src(%arg9 : memref<128x128xf32, #tpu.memory_space<vmem>>) dst(%dma_wait3A_113 : memref<10240x128xf32, #tpu.memory_space<vmem_shared>>)
          tpu.yield
        }) : () -> ()
        %scan3A_101 = arith.constant 0 : i32
        scf.yield %scan3A_101 : i32
      }
      %scan3A_69 = arith.constant 16 : i32
      %while3A_70 = arith.constant 0 : i32
      scf.yield %while3A_70 : i32
    }
    %barrier3A_53 = arith.constant 0 : index
    tpu.barrier barrier_id(%barrier3A_53)
    %mul3A_54 = arith.constant 640 : i32
    %mul3A_55 = arith.muli %arg1, %mul3A_54 : i32
    %mul3A_56 = arith.constant 640 : i32
    %mul3A_57 = arith.muli %arg1, %mul3A_56 : i32
    "tpu.region"() ({
      %run_scoped3A = tpu.sem_alloc : memref<!tpu.dma_semaphore, #tpu.memory_space<semaphore_mem>>
      %dma_start3A = arith.constant 0 : i32
      %dma_start3A_58 = tpu.memref_slice %arg5[%arg0, %mul3A_57, %dma_start3A] : memref<2x10240x128xf32, #tpu.memory_space<hbm>> -> memref<1x640x128xf32, #tpu.memory_space<hbm>>
      %dma_start3A_59 = tpu.memref_squeeze %dma_start3A_58 : memref<1x640x128xf32, #tpu.memory_space<hbm>> -> memref<640x128xf32, #tpu.memory_space<hbm>>
      %dma_start3A_60 = arith.constant 0 : i32
      %dma_start3A_61 = tpu.memref_slice %arg10[%mul3A_55, %dma_start3A_60] : memref<10240x128xf32, #tpu.memory_space<vmem_shared>> -> memref<640x128xf32, #tpu.memory_space<vmem_shared>>
      tpu.enqueue_dma source(%dma_start3A_61 : memref<640x128xf32, #tpu.memory_space<vmem_shared>>) target(%dma_start3A_59 : memref<640x128xf32, #tpu.memory_space<hbm>>) target_semaphore(%run_scoped3A : memref<!tpu.dma_semaphore, #tpu.memory_space<semaphore_mem>>)
      %dma_wait3A = arith.constant 0 : i32
      %dma_wait3A_62 = tpu.memref_slice %arg5[%arg0, %mul3A_57, %dma_wait3A] : memref<2x10240x128xf32, #tpu.memory_space<hbm>> -> memref<1x640x128xf32, #tpu.memory_space<hbm>>
      %dma_wait3A_63 = tpu.memref_squeeze %dma_wait3A_62 : memref<1x640x128xf32, #tpu.memory_space<hbm>> -> memref<640x128xf32, #tpu.memory_space<hbm>>
      %dma_wait3A_64 = arith.constant 0 : i32
      %dma_wait3A_65 = tpu.memref_slice %arg10[%mul3A_55, %dma_wait3A_64] : memref<10240x128xf32, #tpu.memory_space<vmem_shared>> -> memref<640x128xf32, #tpu.memory_space<vmem_shared>>
      tpu.wait_dma2 semaphore(%run_scoped3A : memref<!tpu.dma_semaphore, #tpu.memory_space<semaphore_mem>>) src(%dma_wait3A_65 : memref<640x128xf32, #tpu.memory_space<vmem_shared>>) dst(%dma_wait3A_63 : memref<640x128xf32, #tpu.memory_space<hbm>>)
      tpu.yield
    }) : () -> ()
    return
  }
}

module attributes {stable_mosaic.version = 14 : i64} {
  func.func @_k1_body(%arg0: i32, %arg1: memref<32x640xf32, #tpu.memory_space<vmem>>, %arg2: memref<640x128xf32, #tpu.memory_space<vmem>>, %arg3: memref<128x128xf32, #tpu.memory_space<vmem>>, %arg4: memref<640x128xf32, #tpu.memory_space<vmem>>, %arg5: memref<640x1xf32, #tpu.memory_space<vmem>>) attributes {dimension_semantics = [#tpu.dimension_semantics<arbitrary>], iteration_bounds = array<i64: 16>, scalar_prefetch = 0 : i64, scratch_operands = 0 : i64, tpu.core_type = #tpu.core_type<tc>, window_params = [{transform_indices = @transform_0, window_bounds = array<i64: 32, 640>}, {transform_indices = @transform_1, window_bounds = array<i64: 640, 128>}, {pipeline_mode = #tpu.pipeline_mode<synchronous>, transform_indices = @transform_2, window_bounds = array<i64: 128, 128>}, {transform_indices = @transform_3, window_bounds = array<i64: 640, 128>}, {transform_indices = @transform_4, window_bounds = array<i64: 640, 1>}]} {
    %get3A = arith.constant 0 : index
    %get3A_0 = arith.constant 0 : index
    %get3A_1 = vector.load %arg1[%get3A, %get3A_0] : memref<32x640xf32, #tpu.memory_space<vmem>>, vector<32x640xf32>
    %reduce_sum3A = arith.constant dense<0.000000e+00> : vector<640xf32>
    %reduce_sum3A_2 = vector.multi_reduction <add>, %get3A_1, %reduce_sum3A [0] : vector<32x640xf32> to vector<640xf32>
    %add3A = arith.constant 1.000000e+00 : f32
    %add3A_3 = vector.broadcast %add3A : f32 to vector<640xf32>
    %add3A_4 = arith.addf %reduce_sum3A_2, %add3A_3 : vector<640xf32>
    %rsqrt3A = math.rsqrt %add3A_4 : vector<640xf32>
    %get3A_5 = arith.constant 0 : index
    %get3A_6 = arith.constant 0 : index
    %get3A_7 = vector.load %arg2[%get3A_5, %get3A_6] : memref<640x128xf32, #tpu.memory_space<vmem>>, vector<640x128xf32>
    %get3A_8 = arith.constant 0 : index
    %get3A_9 = arith.constant 0 : index
    %get3A_10 = vector.load %arg3[%get3A_8, %get3A_9] : memref<128x128xf32, #tpu.memory_space<vmem>>, vector<128x128xf32>
    %dot_general3A = arith.constant dense<0.000000e+00> : vector<640x128xf32>
    %dot_general3A_11 = tpu.matmul %get3A_7, %get3A_10, %dot_general3A {dimension_numbers = #tpu.dot_dimension_numbers<[1], [0], [0], [1], [0, 0, 1, 1], [], []>, transpose_lhs_hint = false} : vector<640x128xf32>, vector<128x128xf32>, vector<640x128xf32> -> vector<640x128xf32>
    %broadcast_in_dim3A = vector.shape_cast %rsqrt3A : vector<640xf32> to vector<640x1xf32>
    %mul3A = vector.broadcast %broadcast_in_dim3A : vector<640x1xf32> to vector<640x128xf32>
    %mul3A_12 = arith.mulf %dot_general3A_11, %mul3A : vector<640x128xf32>
    %swap3A = arith.constant 0 : index
    %swap3A_13 = arith.constant 0 : index
    %swap3A_14 = vector.load %arg4[%swap3A, %swap3A_13] : memref<640x128xf32, #tpu.memory_space<vmem>>, vector<640x128xf32>
    tpu.vector_store %arg4[%swap3A, %swap3A_13], %mul3A_12 {strides = array<i32>} : memref<640x128xf32, #tpu.memory_space<vmem>>, vector<640x128xf32>,
    %broadcast_in_dim3A_15 = vector.shape_cast %rsqrt3A : vector<640xf32> to vector<640x1xf32>
    %swap3A_16 = arith.constant 0 : index
    %swap3A_17 = arith.constant 0 : index
    %swap3A_18 = vector.load %arg5[%swap3A_16, %swap3A_17] : memref<640x1xf32, #tpu.memory_space<vmem>>, vector<640x1xf32>
    tpu.vector_store %arg5[%swap3A_16, %swap3A_17], %broadcast_in_dim3A_15 {strides = array<i32>} : memref<640x1xf32, #tpu.memory_space<vmem>>, vector<640x1xf32>,
    return
  }
  func.func @transform_0(%arg0: i32) -> (i32, i32) {
    %c0_i32 = arith.constant 0 : i32
    %c0_i32_0 = arith.constant 0 : i32
    return %c0_i32, %arg0 : i32, i32
  }
  func.func @transform_1(%arg0: i32) -> (i32, i32) {
    %c0_i32 = arith.constant 0 : i32
    %c0_i32_0 = arith.constant 0 : i32
    return %arg0, %c0_i32 : i32, i32
  }
  func.func @transform_2(%arg0: i32) -> (i32, i32) {
    %c0_i32 = arith.constant 0 : i32
    %c0_i32_0 = arith.constant 0 : i32
    %c0_i32_1 = arith.constant 0 : i32
    return %c0_i32, %c0_i32_0 : i32, i32
  }
  func.func @transform_3(%arg0: i32) -> (i32, i32) {
    %c0_i32 = arith.constant 0 : i32
    %c0_i32_0 = arith.constant 0 : i32
    return %arg0, %c0_i32 : i32, i32
  }
  func.func @transform_4(%arg0: i32) -> (i32, i32) {
    %c0_i32 = arith.constant 0 : i32
    %c0_i32_0 = arith.constant 0 : i32
    return %arg0, %c0_i32 : i32, i32
  }
}

module attributes {stable_mosaic.version = 14 : i64} {
  func.func @_mid_body(%arg0: i32, %arg1: memref<2x640x128xf32, #tpu.memory_space<vmem>>, %arg2: memref<640x128xf32, #tpu.memory_space<vmem>>, %arg3: memref<640x1xf32, #tpu.memory_space<vmem>>, %arg4: memref<1x128xf32, #tpu.memory_space<vmem>>, %arg5: memref<1x128xf32, #tpu.memory_space<vmem>>, %arg6: memref<1x128xf32, #tpu.memory_space<vmem>>, %arg7: memref<128x128xf32, #tpu.memory_space<vmem>>, %arg8: memref<640x128xf32, #tpu.memory_space<vmem>>, %arg9: memref<10240x128xf32, #tpu.memory_space<vmem>>, %arg10: memref<2x128xf32, #tpu.memory_space<vmem>>) attributes {dimension_semantics = [#tpu.dimension_semantics<arbitrary>], iteration_bounds = array<i64: 32>, scalar_prefetch = 0 : i64, scratch_operands = 2 : i64, tpu.core_type = #tpu.core_type<tc>, window_params = [{transform_indices = @transform_0, window_bounds = array<i64: 2, 640, 128>}, {transform_indices = @transform_1, window_bounds = array<i64: 640, 128>}, {transform_indices = @transform_2, window_bounds = array<i64: 640, 1>}, {pipeline_mode = #tpu.pipeline_mode<synchronous>, transform_indices = @transform_3, window_bounds = array<i64: 1, 128>}, {pipeline_mode = #tpu.pipeline_mode<synchronous>, transform_indices = @transform_4, window_bounds = array<i64: 1, 128>}, {pipeline_mode = #tpu.pipeline_mode<synchronous>, transform_indices = @transform_5, window_bounds = array<i64: 1, 128>}, {pipeline_mode = #tpu.pipeline_mode<synchronous>, transform_indices = @transform_6, window_bounds = array<i64: 128, 128>}, {transform_indices = @transform_7, window_bounds = array<i64: 640, 128>}]} {
    %lt3A = arith.constant 16 : i32
    %lt3A_0 = arith.cmpi slt, %arg0, %lt3A : i32
    %convert_element_type3A = arith.extui %lt3A_0 : i1 to i32
    %cond3A = arith.constant 0 : i32
    %cond3A_1 = arith.cmpi ne, %convert_element_type3A, %cond3A : i32
    scf.if %cond3A_1 {
      %get3A = arith.constant 0 : index
      %get3A_6 = arith.constant 0 : index
      %get3A_7 = arith.constant 0 : index
      %get3A_8 = vector.load %arg1[%get3A, %get3A_6, %get3A_7] : memref<2x640x128xf32, #tpu.memory_space<vmem>>, vector<1x640x128xf32>
      %get3A_9 = vector.shape_cast %get3A_8 : vector<1x640x128xf32> to vector<640x128xf32>
      %get3A_10 = arith.constant 1 : index
      %get3A_11 = arith.constant 0 : index
      %get3A_12 = arith.constant 0 : index
      %get3A_13 = vector.load %arg1[%get3A_10, %get3A_11, %get3A_12] : memref<2x640x128xf32, #tpu.memory_space<vmem>>, vector<1x640x128xf32>
      %get3A_14 = vector.shape_cast %get3A_13 : vector<1x640x128xf32> to vector<640x128xf32>
      %add3A = arith.addf %get3A_9, %get3A_14 : vector<640x128xf32>
      %get3A_15 = arith.constant 0 : index
      %get3A_16 = arith.constant 0 : index
      %get3A_17 = vector.load %arg2[%get3A_15, %get3A_16] : memref<640x128xf32, #tpu.memory_space<vmem>>, vector<640x128xf32>
      %add3A_18 = arith.addf %add3A, %get3A_17 : vector<640x128xf32>
      %get3A_19 = arith.constant 0 : index
      %get3A_20 = arith.constant 0 : index
      %get3A_21 = vector.load %arg3[%get3A_19, %get3A_20] : memref<640x1xf32, #tpu.memory_space<vmem>>, vector<640x1xf32>
      %mul3A = vector.broadcast %get3A_21 : vector<640x1xf32> to vector<640x128xf32>
      %mul3A_22 = arith.mulf %add3A_18, %mul3A : vector<640x128xf32>
      %get3A_23 = arith.constant 0 : index
      %get3A_24 = arith.constant 0 : index
      %get3A_25 = vector.load %arg4[%get3A_23, %get3A_24] : memref<1x128xf32, #tpu.memory_space<vmem>>, vector<1x128xf32>
      %add3A_26 = vector.broadcast %get3A_25 : vector<1x128xf32> to vector<640x128xf32>
      %add3A_27 = arith.addf %mul3A_22, %add3A_26 : vector<640x128xf32>
      %mul3A_28 = arith.constant 640 : i32
      %mul3A_29 = arith.muli %arg0, %mul3A_28 : i32
      %iota3A = tpu.iota {dimensions = array<i32: 0>} : vector<640x1xi32>
      %add3A_30 = vector.broadcast %mul3A_29 : i32 to vector<640x1xi32>
      %add3A_31 = arith.addi %add3A_30, %iota3A : vector<640x1xi32>
      %lt3A_32 = arith.constant 10000 : i32
      %lt3A_33 = vector.broadcast %lt3A_32 : i32 to vector<640x1xi32>
      %lt3A_34 = arith.cmpi slt, %add3A_31, %lt3A_33 : vector<640x1xi32>
      %jit3A = arith.constant 0.000000e+00 : f32
      %broadcast_in_dim3A = vector.shape_cast %lt3A_34 : vector<640x1xi1> to vector<640x1xi1>
      %broadcast_in_dim3A_35 = vector.broadcast %broadcast_in_dim3A : vector<640x1xi1> to vector<640x128xi1>
      %broadcast_in_dim3A_36 = vector.broadcast %jit3A : f32 to vector<640x128xf32>
      %select_n3A = arith.select %broadcast_in_dim3A_35, %add3A_27, %broadcast_in_dim3A_36 : vector<640x128xi1>, vector<640x128xf32>
      %mul3A_37 = arith.constant 640 : i32
      %mul3A_38 = arith.muli %arg0, %mul3A_37 : i32
      %swap3A = arith.index_cast %mul3A_38 : i32 to index
      %swap3A_39 = arith.constant 0 : index
      %swap3A_40 = vector.load %arg9[%swap3A, %swap3A_39] : memref<10240x128xf32, #tpu.memory_space<vmem>>, vector<640x128xf32>
      tpu.vector_store %arg9[%swap3A, %swap3A_39], %select_n3A {strides = array<i32>} : memref<10240x128xf32, #tpu.memory_space<vmem>>, vector<640x128xf32>,
      %reduce_sum3A = arith.constant dense<0.000000e+00> : vector<128xf32>
      %reduce_sum3A_41 = vector.multi_reduction <add>, %select_n3A, %reduce_sum3A [0] : vector<640x128xf32> to vector<128xf32>
      %broadcast_in_dim3A_42 = vector.shape_cast %reduce_sum3A_41 : vector<128xf32> to vector<1x128xf32>
      %mul3A_43 = arith.mulf %select_n3A, %select_n3A : vector<640x128xf32>
      %reduce_sum3A_44 = arith.constant dense<0.000000e+00> : vector<128xf32>
      %reduce_sum3A_45 = vector.multi_reduction <add>, %mul3A_43, %reduce_sum3A_44 [0] : vector<640x128xf32> to vector<128xf32>
      %broadcast_in_dim3A_46 = vector.shape_cast %reduce_sum3A_45 : vector<128xf32> to vector<1x128xf32>
      %concatenate3A = tpu.concatenate %broadcast_in_dim3A_42, %broadcast_in_dim3A_46 in 0 : vector<1x128xf32>, vector<1x128xf32> -> vector<2x128xf32>
      %eq3A = arith.constant 0 : i32
      %eq3A_47 = arith.cmpi eq, %arg0, %eq3A : i32
      %convert_element_type3A_48 = arith.extui %eq3A_47 : i1 to i32
      %cond3A_49 = arith.constant 0 : i32
      %cond3A_50 = arith.cmpi ne, %convert_element_type3A_48, %cond3A_49 : i32
      scf.if %cond3A_50 {
        %swap3A_55 = arith.constant 0 : index
        %swap3A_56 = arith.constant 0 : index
        %swap3A_57 = vector.load %arg10[%swap3A_55, %swap3A_56] : memref<2x128xf32, #tpu.memory_space<vmem>>, vector<2x128xf32>
        tpu.vector_store %arg10[%swap3A_55, %swap3A_56], %concatenate3A {strides = array<i32>} : memref<2x128xf32, #tpu.memory_space<vmem>>, vector<2x128xf32>,
      } else {
      }
      %gt3A = arith.constant 0 : i32
      %gt3A_51 = arith.cmpi sgt, %arg0, %gt3A : i32
      %convert_element_type3A_52 = arith.extui %gt3A_51 : i1 to i32
      %cond3A_53 = arith.constant 0 : i32
      %cond3A_54 = arith.cmpi ne, %convert_element_type3A_52, %cond3A_53 : i32
      scf.if %cond3A_54 {
        %get3A_55 = arith.constant 0 : index
        %get3A_56 = arith.constant 0 : index
        %get3A_57 = vector.load %arg10[%get3A_55, %get3A_56] : memref<2x128xf32, #tpu.memory_space<vmem>>, vector<2x128xf32>
        %add3A_58 = arith.addf %get3A_57, %concatenate3A : vector<2x128xf32>
        %swap3A_59 = arith.constant 0 : index
        %swap3A_60 = arith.constant 0 : index
        %swap3A_61 = vector.load %arg10[%swap3A_59, %swap3A_60] : memref<2x128xf32, #tpu.memory_space<vmem>>, vector<2x128xf32>
        tpu.vector_store %arg10[%swap3A_59, %swap3A_60], %add3A_58 {strides = array<i32>} : memref<2x128xf32, #tpu.memory_space<vmem>>, vector<2x128xf32>,
      } else {
      }
    } else {
    }
    %ge3A = arith.constant 16 : i32
    %ge3A_2 = arith.cmpi sge, %arg0, %ge3A : i32
    %convert_element_type3A_3 = arith.extui %ge3A_2 : i1 to i32
    %cond3A_4 = arith.constant 0 : i32
    %cond3A_5 = arith.cmpi ne, %convert_element_type3A_3, %cond3A_4 : i32
    scf.if %cond3A_5 {
      %sub3A = arith.constant 16 : i32
      %sub3A_6 = arith.subi %arg0, %sub3A : i32
      %mul3A = arith.constant 640 : i32
      %mul3A_7 = arith.muli %sub3A_6, %mul3A : i32
      %get3A = arith.index_cast %mul3A_7 : i32 to index
      %get3A_8 = arith.constant 0 : index
      %get3A_9 = vector.load %arg9[%get3A, %get3A_8] : memref<10240x128xf32, #tpu.memory_space<vmem>>, vector<640x128xf32>
      %mul3A_10 = arith.constant 640 : i32
      %mul3A_11 = arith.muli %sub3A_6, %mul3A_10 : i32
      %iota3A = tpu.iota {dimensions = array<i32: 0>} : vector<640x1xi32>
      %add3A = vector.broadcast %mul3A_11 : i32 to vector<640x1xi32>
      %add3A_12 = arith.addi %add3A, %iota3A : vector<640x1xi32>
      %get3A_13 = arith.constant 0 : index
      %get3A_14 = arith.constant 0 : index
      %get3A_15 = vector.load %arg10[%get3A_13, %get3A_14] : memref<2x128xf32, #tpu.memory_space<vmem>>, vector<2x128xf32>
      %get3A_16 = arith.constant 0 : index
      %get3A_17 = arith.constant 0 : index
      %get3A_18 = vector.load %arg5[%get3A_16, %get3A_17] : memref<1x128xf32, #tpu.memory_space<vmem>>, vector<1x128xf32>
      %get3A_19 = arith.constant 0 : index
      %get3A_20 = arith.constant 0 : index
      %get3A_21 = vector.load %arg6[%get3A_19, %get3A_20] : memref<1x128xf32, #tpu.memory_space<vmem>>, vector<1x128xf32>
      %slice3A = vector.extract_strided_slice %get3A_15 {offsets = [0, 0], sizes = [1, 128], strides = [1, 1]} : vector<2x128xf32> to vector<1x128xf32>
      %mul3A_22 = arith.constant 9.99999974E-5 : f32
      %mul3A_23 = vector.broadcast %mul3A_22 : f32 to vector<1x128xf32>
      %mul3A_24 = arith.mulf %slice3A, %mul3A_23 : vector<1x128xf32>
      %slice3A_25 = vector.extract_strided_slice %get3A_15 {offsets = [1, 0], sizes = [1, 128], strides = [1, 1]} : vector<2x128xf32> to vector<1x128xf32>
      %mul3A_26 = arith.constant 9.99999974E-5 : f32
      %mul3A_27 = vector.broadcast %mul3A_26 : f32 to vector<1x128xf32>
      %mul3A_28 = arith.mulf %slice3A_25, %mul3A_27 : vector<1x128xf32>
      %mul3A_29 = arith.mulf %mul3A_24, %mul3A_24 : vector<1x128xf32>
      %sub3A_30 = arith.subf %mul3A_28, %mul3A_29 : vector<1x128xf32>
      %add3A_31 = arith.constant 9.99999974E-6 : f32
      %add3A_32 = vector.broadcast %add3A_31 : f32 to vector<1x128xf32>
      %add3A_33 = arith.addf %sub3A_30, %add3A_32 : vector<1x128xf32>
      %rsqrt3A = math.rsqrt %add3A_33 : vector<1x128xf32>
      %sub3A_34 = vector.broadcast %mul3A_24 : vector<1x128xf32> to vector<640x128xf32>
      %sub3A_35 = arith.subf %get3A_9, %sub3A_34 : vector<640x128xf32>
      %mul3A_36 = arith.mulf %rsqrt3A, %get3A_18 : vector<1x128xf32>
      %mul3A_37 = vector.broadcast %mul3A_36 : vector<1x128xf32> to vector<640x128xf32>
      %mul3A_38 = arith.mulf %sub3A_35, %mul3A_37 : vector<640x128xf32>
      %add3A_39 = vector.broadcast %get3A_21 : vector<1x128xf32> to vector<640x128xf32>
      %add3A_40 = arith.addf %mul3A_38, %add3A_39 : vector<640x128xf32>
      %max3A = arith.constant 0.000000e+00 : f32
      %max3A_41 = vector.broadcast %max3A : f32 to vector<640x128xf32>
      %max3A_42 = arith.maximumf %add3A_40, %max3A_41 : vector<640x128xf32>
      %lt3A_43 = arith.constant 10000 : i32
      %lt3A_44 = vector.broadcast %lt3A_43 : i32 to vector<640x1xi32>
      %lt3A_45 = arith.cmpi slt, %add3A_12, %lt3A_44 : vector<640x1xi32>
      %jit3A = arith.constant 0.000000e+00 : f32
      %broadcast_in_dim3A = vector.shape_cast %lt3A_45 : vector<640x1xi1> to vector<640x1xi1>
      %broadcast_in_dim3A_46 = vector.broadcast %broadcast_in_dim3A : vector<640x1xi1> to vector<640x128xi1>
      %broadcast_in_dim3A_47 = vector.broadcast %jit3A : f32 to vector<640x128xf32>
      %select_n3A = arith.select %broadcast_in_dim3A_46, %max3A_42, %broadcast_in_dim3A_47 : vector<640x128xi1>, vector<640x128xf32>
      %get3A_48 = arith.constant 0 : index
      %get3A_49 = arith.constant 0 : index
      %get3A_50 = vector.load %arg7[%get3A_48, %get3A_49] : memref<128x128xf32, #tpu.memory_space<vmem>>, vector<128x128xf32>
      %dot_general3A = arith.constant dense<0.000000e+00> : vector<640x128xf32>
      %dot_general3A_51 = tpu.matmul %select_n3A, %get3A_50, %dot_general3A {dimension_numbers = #tpu.dot_dimension_numbers<[1], [0], [0], [1], [0, 0, 1, 1], [], []>, transpose_lhs_hint = false} : vector<640x128xf32>, vector<128x128xf32>, vector<640x128xf32> -> vector<640x128xf32>
      %get3A_52 = arith.constant 0 : index
      %get3A_53 = arith.constant 0 : index
      %get3A_54 = vector.load %arg3[%get3A_52, %get3A_53] : memref<640x1xf32, #tpu.memory_space<vmem>>, vector<640x1xf32>
      %mul3A_55 = vector.broadcast %get3A_54 : vector<640x1xf32> to vector<640x128xf32>
      %mul3A_56 = arith.mulf %dot_general3A_51, %mul3A_55 : vector<640x128xf32>
      %swap3A = arith.constant 0 : index
      %swap3A_57 = arith.constant 0 : index
      %swap3A_58 = vector.load %arg8[%swap3A, %swap3A_57] : memref<640x128xf32, #tpu.memory_space<vmem>>, vector<640x128xf32>
      tpu.vector_store %arg8[%swap3A, %swap3A_57], %mul3A_56 {strides = array<i32>} : memref<640x128xf32, #tpu.memory_space<vmem>>, vector<640x128xf32>,
    } else {
    }
    return
  }
  func.func @transform_0(%arg0: i32) -> (i32, i32, i32) {
    %lt3A = arith.constant 16 : i32
    %lt3A_0 = arith.cmpi slt, %arg0, %lt3A : i32
    %jit3A = arith.constant 15 : i32
    %select_n3A = arith.select %lt3A_0, %arg0, %jit3A : i32
    %c0_i32 = arith.constant 0 : i32
    %c0_i32_1 = arith.constant 0 : i32
    %c0_i32_2 = arith.constant 0 : i32
    return %c0_i32, %select_n3A, %c0_i32_1 : i32, i32, i32
  }
  func.func @transform_1(%arg0: i32) -> (i32, i32) {
    %lt3A = arith.constant 16 : i32
    %lt3A_0 = arith.cmpi slt, %arg0, %lt3A : i32
    %jit3A = arith.constant 15 : i32
    %select_n3A = arith.select %lt3A_0, %arg0, %jit3A : i32
    %c0_i32 = arith.constant 0 : i32
    %c0_i32_1 = arith.constant 0 : i32
    return %select_n3A, %c0_i32 : i32, i32
  }
  func.func @transform_2(%arg0: i32) -> (i32, i32) {
    %lt3A = arith.constant 16 : i32
    %lt3A_0 = arith.cmpi slt, %arg0, %lt3A : i32
    %sub3A = arith.constant 16 : i32
    %sub3A_1 = arith.subi %arg0, %sub3A : i32
    %select_n3A = arith.select %lt3A_0, %arg0, %sub3A_1 : i32
    %c0_i32 = arith.constant 0 : i32
    %c0_i32_2 = arith.constant 0 : i32
    return %select_n3A, %c0_i32 : i32, i32
  }
  func.func @transform_3(%arg0: i32) -> (i32, i32) {
    %c0_i32 = arith.constant 0 : i32
    %c0_i32_0 = arith.constant 0 : i32
    %c0_i32_1 = arith.constant 0 : i32
    return %c0_i32, %c0_i32_0 : i32, i32
  }
  func.func @transform_4(%arg0: i32) -> (i32, i32) {
    %c0_i32 = arith.constant 0 : i32
    %c0_i32_0 = arith.constant 0 : i32
    %c0_i32_1 = arith.constant 0 : i32
    return %c0_i32, %c0_i32_0 : i32, i32
  }
  func.func @transform_5(%arg0: i32) -> (i32, i32) {
    %c0_i32 = arith.constant 0 : i32
    %c0_i32_0 = arith.constant 0 : i32
    %c0_i32_1 = arith.constant 0 : i32
    return %c0_i32, %c0_i32_0 : i32, i32
  }
  func.func @transform_6(%arg0: i32) -> (i32, i32) {
    %c0_i32 = arith.constant 0 : i32
    %c0_i32_0 = arith.constant 0 : i32
    %c0_i32_1 = arith.constant 0 : i32
    return %c0_i32, %c0_i32_0 : i32, i32
  }
  func.func @transform_7(%arg0: i32) -> (i32, i32) {
    %lt3A = arith.constant 16 : i32
    %lt3A_0 = arith.cmpi slt, %arg0, %lt3A : i32
    %sub3A = arith.constant 16 : i32
    %sub3A_1 = arith.subi %arg0, %sub3A : i32
    %jit3A = arith.constant 0 : i32
    %select_n3A = arith.select %lt3A_0, %jit3A, %sub3A_1 : i32
    %c0_i32 = arith.constant 0 : i32
    %c0_i32_2 = arith.constant 0 : i32
    return %select_n3A, %c0_i32 : i32, i32
  }
}

module attributes {stable_mosaic.version = 14 : i64} {
  func.func @_fin_body(%arg0: i32, %arg1: memref<2x640x128xf32, #tpu.memory_space<vmem>>, %arg2: memref<640x128xf32, #tpu.memory_space<vmem>>, %arg3: memref<640x1xf32, #tpu.memory_space<vmem>>, %arg4: memref<1x128xf32, #tpu.memory_space<vmem>>, %arg5: memref<1x128xf32, #tpu.memory_space<vmem>>, %arg6: memref<1x128xf32, #tpu.memory_space<vmem>>, %arg7: memref<640x128xf32, #tpu.memory_space<vmem>>, %arg8: memref<10240x128xf32, #tpu.memory_space<vmem>>, %arg9: memref<2x128xf32, #tpu.memory_space<vmem>>) attributes {dimension_semantics = [#tpu.dimension_semantics<arbitrary>], iteration_bounds = array<i64: 32>, scalar_prefetch = 0 : i64, scratch_operands = 2 : i64, tpu.core_type = #tpu.core_type<tc>, window_params = [{transform_indices = @transform_0, window_bounds = array<i64: 2, 640, 128>}, {transform_indices = @transform_1, window_bounds = array<i64: 640, 128>}, {transform_indices = @transform_2, window_bounds = array<i64: 640, 1>}, {pipeline_mode = #tpu.pipeline_mode<synchronous>, transform_indices = @transform_3, window_bounds = array<i64: 1, 128>}, {pipeline_mode = #tpu.pipeline_mode<synchronous>, transform_indices = @transform_4, window_bounds = array<i64: 1, 128>}, {pipeline_mode = #tpu.pipeline_mode<synchronous>, transform_indices = @transform_5, window_bounds = array<i64: 1, 128>}, {transform_indices = @transform_6, window_bounds = array<i64: 640, 128>}]} {
    %lt3A = arith.constant 16 : i32
    %lt3A_0 = arith.cmpi slt, %arg0, %lt3A : i32
    %convert_element_type3A = arith.extui %lt3A_0 : i1 to i32
    %cond3A = arith.constant 0 : i32
    %cond3A_1 = arith.cmpi ne, %convert_element_type3A, %cond3A : i32
    scf.if %cond3A_1 {
      %get3A = arith.constant 0 : index
      %get3A_6 = arith.constant 0 : index
      %get3A_7 = arith.constant 0 : index
      %get3A_8 = vector.load %arg1[%get3A, %get3A_6, %get3A_7] : memref<2x640x128xf32, #tpu.memory_space<vmem>>, vector<1x640x128xf32>
      %get3A_9 = vector.shape_cast %get3A_8 : vector<1x640x128xf32> to vector<640x128xf32>
      %get3A_10 = arith.constant 1 : index
      %get3A_11 = arith.constant 0 : index
      %get3A_12 = arith.constant 0 : index
      %get3A_13 = vector.load %arg1[%get3A_10, %get3A_11, %get3A_12] : memref<2x640x128xf32, #tpu.memory_space<vmem>>, vector<1x640x128xf32>
      %get3A_14 = vector.shape_cast %get3A_13 : vector<1x640x128xf32> to vector<640x128xf32>
      %add3A = arith.addf %get3A_9, %get3A_14 : vector<640x128xf32>
      %get3A_15 = arith.constant 0 : index
      %get3A_16 = arith.constant 0 : index
      %get3A_17 = vector.load %arg2[%get3A_15, %get3A_16] : memref<640x128xf32, #tpu.memory_space<vmem>>, vector<640x128xf32>
      %add3A_18 = arith.addf %add3A, %get3A_17 : vector<640x128xf32>
      %get3A_19 = arith.constant 0 : index
      %get3A_20 = arith.constant 0 : index
      %get3A_21 = vector.load %arg3[%get3A_19, %get3A_20] : memref<640x1xf32, #tpu.memory_space<vmem>>, vector<640x1xf32>
      %mul3A = vector.broadcast %get3A_21 : vector<640x1xf32> to vector<640x128xf32>
      %mul3A_22 = arith.mulf %add3A_18, %mul3A : vector<640x128xf32>
      %get3A_23 = arith.constant 0 : index
      %get3A_24 = arith.constant 0 : index
      %get3A_25 = vector.load %arg4[%get3A_23, %get3A_24] : memref<1x128xf32, #tpu.memory_space<vmem>>, vector<1x128xf32>
      %add3A_26 = vector.broadcast %get3A_25 : vector<1x128xf32> to vector<640x128xf32>
      %add3A_27 = arith.addf %mul3A_22, %add3A_26 : vector<640x128xf32>
      %mul3A_28 = arith.constant 640 : i32
      %mul3A_29 = arith.muli %arg0, %mul3A_28 : i32
      %iota3A = tpu.iota {dimensions = array<i32: 0>} : vector<640x1xi32>
      %add3A_30 = vector.broadcast %mul3A_29 : i32 to vector<640x1xi32>
      %add3A_31 = arith.addi %add3A_30, %iota3A : vector<640x1xi32>
      %lt3A_32 = arith.constant 10000 : i32
      %lt3A_33 = vector.broadcast %lt3A_32 : i32 to vector<640x1xi32>
      %lt3A_34 = arith.cmpi slt, %add3A_31, %lt3A_33 : vector<640x1xi32>
      %jit3A = arith.constant 0.000000e+00 : f32
      %broadcast_in_dim3A = vector.shape_cast %lt3A_34 : vector<640x1xi1> to vector<640x1xi1>
      %broadcast_in_dim3A_35 = vector.broadcast %broadcast_in_dim3A : vector<640x1xi1> to vector<640x128xi1>
      %broadcast_in_dim3A_36 = vector.broadcast %jit3A : f32 to vector<640x128xf32>
      %select_n3A = arith.select %broadcast_in_dim3A_35, %add3A_27, %broadcast_in_dim3A_36 : vector<640x128xi1>, vector<640x128xf32>
      %mul3A_37 = arith.constant 640 : i32
      %mul3A_38 = arith.muli %arg0, %mul3A_37 : i32
      %swap3A = arith.index_cast %mul3A_38 : i32 to index
      %swap3A_39 = arith.constant 0 : index
      %swap3A_40 = vector.load %arg8[%swap3A, %swap3A_39] : memref<10240x128xf32, #tpu.memory_space<vmem>>, vector<640x128xf32>
      tpu.vector_store %arg8[%swap3A, %swap3A_39], %select_n3A {strides = array<i32>} : memref<10240x128xf32, #tpu.memory_space<vmem>>, vector<640x128xf32>,
      %reduce_sum3A = arith.constant dense<0.000000e+00> : vector<128xf32>
      %reduce_sum3A_41 = vector.multi_reduction <add>, %select_n3A, %reduce_sum3A [0] : vector<640x128xf32> to vector<128xf32>
      %broadcast_in_dim3A_42 = vector.shape_cast %reduce_sum3A_41 : vector<128xf32> to vector<1x128xf32>
      %mul3A_43 = arith.mulf %select_n3A, %select_n3A : vector<640x128xf32>
      %reduce_sum3A_44 = arith.constant dense<0.000000e+00> : vector<128xf32>
      %reduce_sum3A_45 = vector.multi_reduction <add>, %mul3A_43, %reduce_sum3A_44 [0] : vector<640x128xf32> to vector<128xf32>
      %broadcast_in_dim3A_46 = vector.shape_cast %reduce_sum3A_45 : vector<128xf32> to vector<1x128xf32>
      %concatenate3A = tpu.concatenate %broadcast_in_dim3A_42, %broadcast_in_dim3A_46 in 0 : vector<1x128xf32>, vector<1x128xf32> -> vector<2x128xf32>
      %eq3A = arith.constant 0 : i32
      %eq3A_47 = arith.cmpi eq, %arg0, %eq3A : i32
      %convert_element_type3A_48 = arith.extui %eq3A_47 : i1 to i32
      %cond3A_49 = arith.constant 0 : i32
      %cond3A_50 = arith.cmpi ne, %convert_element_type3A_48, %cond3A_49 : i32
      scf.if %cond3A_50 {
        %swap3A_55 = arith.constant 0 : index
        %swap3A_56 = arith.constant 0 : index
        %swap3A_57 = vector.load %arg9[%swap3A_55, %swap3A_56] : memref<2x128xf32, #tpu.memory_space<vmem>>, vector<2x128xf32>
        tpu.vector_store %arg9[%swap3A_55, %swap3A_56], %concatenate3A {strides = array<i32>} : memref<2x128xf32, #tpu.memory_space<vmem>>, vector<2x128xf32>,
      } else {
      }
      %gt3A = arith.constant 0 : i32
      %gt3A_51 = arith.cmpi sgt, %arg0, %gt3A : i32
      %convert_element_type3A_52 = arith.extui %gt3A_51 : i1 to i32
      %cond3A_53 = arith.constant 0 : i32
      %cond3A_54 = arith.cmpi ne, %convert_element_type3A_52, %cond3A_53 : i32
      scf.if %cond3A_54 {
        %get3A_55 = arith.constant 0 : index
        %get3A_56 = arith.constant 0 : index
        %get3A_57 = vector.load %arg9[%get3A_55, %get3A_56] : memref<2x128xf32, #tpu.memory_space<vmem>>, vector<2x128xf32>
        %add3A_58 = arith.addf %get3A_57, %concatenate3A : vector<2x128xf32>
        %swap3A_59 = arith.constant 0 : index
        %swap3A_60 = arith.constant 0 : index
        %swap3A_61 = vector.load %arg9[%swap3A_59, %swap3A_60] : memref<2x128xf32, #tpu.memory_space<vmem>>, vector<2x128xf32>
        tpu.vector_store %arg9[%swap3A_59, %swap3A_60], %add3A_58 {strides = array<i32>} : memref<2x128xf32, #tpu.memory_space<vmem>>, vector<2x128xf32>,
      } else {
      }
    } else {
    }
    %ge3A = arith.constant 16 : i32
    %ge3A_2 = arith.cmpi sge, %arg0, %ge3A : i32
    %convert_element_type3A_3 = arith.extui %ge3A_2 : i1 to i32
    %cond3A_4 = arith.constant 0 : i32
    %cond3A_5 = arith.cmpi ne, %convert_element_type3A_3, %cond3A_4 : i32
    scf.if %cond3A_5 {
      %sub3A = arith.constant 16 : i32
      %sub3A_6 = arith.subi %arg0, %sub3A : i32
      %mul3A = arith.constant 640 : i32
      %mul3A_7 = arith.muli %sub3A_6, %mul3A : i32
      %get3A = arith.index_cast %mul3A_7 : i32 to index
      %get3A_8 = arith.constant 0 : index
      %get3A_9 = vector.load %arg8[%get3A, %get3A_8] : memref<10240x128xf32, #tpu.memory_space<vmem>>, vector<640x128xf32>
      %mul3A_10 = arith.constant 640 : i32
      %mul3A_11 = arith.muli %sub3A_6, %mul3A_10 : i32
      %iota3A = tpu.iota {dimensions = array<i32: 0>} : vector<640x1xi32>
      %add3A = vector.broadcast %mul3A_11 : i32 to vector<640x1xi32>
      %add3A_12 = arith.addi %add3A, %iota3A : vector<640x1xi32>
      %get3A_13 = arith.constant 0 : index
      %get3A_14 = arith.constant 0 : index
      %get3A_15 = vector.load %arg9[%get3A_13, %get3A_14] : memref<2x128xf32, #tpu.memory_space<vmem>>, vector<2x128xf32>
      %get3A_16 = arith.constant 0 : index
      %get3A_17 = arith.constant 0 : index
      %get3A_18 = vector.load %arg5[%get3A_16, %get3A_17] : memref<1x128xf32, #tpu.memory_space<vmem>>, vector<1x128xf32>
      %get3A_19 = arith.constant 0 : index
      %get3A_20 = arith.constant 0 : index
      %get3A_21 = vector.load %arg6[%get3A_19, %get3A_20] : memref<1x128xf32, #tpu.memory_space<vmem>>, vector<1x128xf32>
      %slice3A = vector.extract_strided_slice %get3A_15 {offsets = [0, 0], sizes = [1, 128], strides = [1, 1]} : vector<2x128xf32> to vector<1x128xf32>
      %mul3A_22 = arith.constant 9.99999974E-5 : f32
      %mul3A_23 = vector.broadcast %mul3A_22 : f32 to vector<1x128xf32>
      %mul3A_24 = arith.mulf %slice3A, %mul3A_23 : vector<1x128xf32>
      %slice3A_25 = vector.extract_strided_slice %get3A_15 {offsets = [1, 0], sizes = [1, 128], strides = [1, 1]} : vector<2x128xf32> to vector<1x128xf32>
      %mul3A_26 = arith.constant 9.99999974E-5 : f32
      %mul3A_27 = vector.broadcast %mul3A_26 : f32 to vector<1x128xf32>
      %mul3A_28 = arith.mulf %slice3A_25, %mul3A_27 : vector<1x128xf32>
      %mul3A_29 = arith.mulf %mul3A_24, %mul3A_24 : vector<1x128xf32>
      %sub3A_30 = arith.subf %mul3A_28, %mul3A_29 : vector<1x128xf32>
      %add3A_31 = arith.constant 9.99999974E-6 : f32
      %add3A_32 = vector.broadcast %add3A_31 : f32 to vector<1x128xf32>
      %add3A_33 = arith.addf %sub3A_30, %add3A_32 : vector<1x128xf32>
      %rsqrt3A = math.rsqrt %add3A_33 : vector<1x128xf32>
      %sub3A_34 = vector.broadcast %mul3A_24 : vector<1x128xf32> to vector<640x128xf32>
      %sub3A_35 = arith.subf %get3A_9, %sub3A_34 : vector<640x128xf32>
      %mul3A_36 = arith.mulf %rsqrt3A, %get3A_18 : vector<1x128xf32>
      %mul3A_37 = vector.broadcast %mul3A_36 : vector<1x128xf32> to vector<640x128xf32>
      %mul3A_38 = arith.mulf %sub3A_35, %mul3A_37 : vector<640x128xf32>
      %add3A_39 = vector.broadcast %get3A_21 : vector<1x128xf32> to vector<640x128xf32>
      %add3A_40 = arith.addf %mul3A_38, %add3A_39 : vector<640x128xf32>
      %max3A = arith.constant 0.000000e+00 : f32
      %max3A_41 = vector.broadcast %max3A : f32 to vector<640x128xf32>
      %max3A_42 = arith.maximumf %add3A_40, %max3A_41 : vector<640x128xf32>
      %lt3A_43 = arith.constant 10000 : i32
      %lt3A_44 = vector.broadcast %lt3A_43 : i32 to vector<640x1xi32>
      %lt3A_45 = arith.cmpi slt, %add3A_12, %lt3A_44 : vector<640x1xi32>
      %jit3A = arith.constant 0.000000e+00 : f32
      %broadcast_in_dim3A = vector.shape_cast %lt3A_45 : vector<640x1xi1> to vector<640x1xi1>
      %broadcast_in_dim3A_46 = vector.broadcast %broadcast_in_dim3A : vector<640x1xi1> to vector<640x128xi1>
      %broadcast_in_dim3A_47 = vector.broadcast %jit3A : f32 to vector<640x128xf32>
      %select_n3A = arith.select %broadcast_in_dim3A_46, %max3A_42, %broadcast_in_dim3A_47 : vector<640x128xi1>, vector<640x128xf32>
      %swap3A = arith.constant 0 : index
      %swap3A_48 = arith.constant 0 : index
      %swap3A_49 = vector.load %arg7[%swap3A, %swap3A_48] : memref<640x128xf32, #tpu.memory_space<vmem>>, vector<640x128xf32>
      tpu.vector_store %arg7[%swap3A, %swap3A_48], %select_n3A {strides = array<i32>} : memref<640x128xf32, #tpu.memory_space<vmem>>, vector<640x128xf32>,
    } else {
    }
    return
  }
  func.func @transform_0(%arg0: i32) -> (i32, i32, i32) {
    %lt3A = arith.constant 16 : i32
    %lt3A_0 = arith.cmpi slt, %arg0, %lt3A : i32
    %jit3A = arith.constant 15 : i32
    %select_n3A = arith.select %lt3A_0, %arg0, %jit3A : i32
    %c0_i32 = arith.constant 0 : i32
    %c0_i32_1 = arith.constant 0 : i32
    %c0_i32_2 = arith.constant 0 : i32
    return %c0_i32, %select_n3A, %c0_i32_1 : i32, i32, i32
  }
  func.func @transform_1(%arg0: i32) -> (i32, i32) {
    %lt3A = arith.constant 16 : i32
    %lt3A_0 = arith.cmpi slt, %arg0, %lt3A : i32
    %jit3A = arith.constant 15 : i32
    %select_n3A = arith.select %lt3A_0, %arg0, %jit3A : i32
    %c0_i32 = arith.constant 0 : i32
    %c0_i32_1 = arith.constant 0 : i32
    return %select_n3A, %c0_i32 : i32, i32
  }
  func.func @transform_2(%arg0: i32) -> (i32, i32) {
    %lt3A = arith.constant 16 : i32
    %lt3A_0 = arith.cmpi slt, %arg0, %lt3A : i32
    %sub3A = arith.constant 16 : i32
    %sub3A_1 = arith.subi %arg0, %sub3A : i32
    %select_n3A = arith.select %lt3A_0, %arg0, %sub3A_1 : i32
    %c0_i32 = arith.constant 0 : i32
    %c0_i32_2 = arith.constant 0 : i32
    return %select_n3A, %c0_i32 : i32, i32
  }
  func.func @transform_3(%arg0: i32) -> (i32, i32) {
    %c0_i32 = arith.constant 0 : i32
    %c0_i32_0 = arith.constant 0 : i32
    %c0_i32_1 = arith.constant 0 : i32
    return %c0_i32, %c0_i32_0 : i32, i32
  }
  func.func @transform_4(%arg0: i32) -> (i32, i32) {
    %c0_i32 = arith.constant 0 : i32
    %c0_i32_0 = arith.constant 0 : i32
    %c0_i32_1 = arith.constant 0 : i32
    return %c0_i32, %c0_i32_0 : i32, i32
  }
  func.func @transform_5(%arg0: i32) -> (i32, i32) {
    %c0_i32 = arith.constant 0 : i32
    %c0_i32_0 = arith.constant 0 : i32
    %c0_i32_1 = arith.constant 0 : i32
    return %c0_i32, %c0_i32_0 : i32, i32
  }
  func.func @transform_6(%arg0: i32) -> (i32, i32) {
    %lt3A = arith.constant 16 : i32
    %lt3A_0 = arith.cmpi slt, %arg0, %lt3A : i32
    %sub3A = arith.constant 16 : i32
    %sub3A_1 = arith.subi %arg0, %sub3A : i32
    %jit3A = arith.constant 0 : i32
    %select_n3A = arith.select %lt3A_0, %jit3A, %sub3A_1 : i32
    %c0_i32 = arith.constant 0 : i32
    %c0_i32_2 = arith.constant 0 : i32
    return %select_n3A, %c0_i32 : i32, i32
  }
}

</mosaic_0001>

<sc_bundles>
// kernel: kernel.11.cloned.1.call-start
scs
__scs_entry_jumppad:
0x0: {  	(pc) =	sbr.rel $0x88, $3  }
0x1: {  	(tag) =	ssettag $0x0;
	lr =	simm.s32 $0x1  }
0x2: {  	[smem:$0x3F97] =	sst lr;
	_ =	strace $0xD0000000  }
0x3: {  	_ = 	snop  }
0x4: {  	_ = 	snop  }
0x5: {  	_ = 	snop  }
0x6: {  	_ = 	snop  }
0x7: {  	_ = 	snop  }
__scs_overlays_trampoline_lowered:
0x8: {  	[smem:$0x3FA6] =	sst s0  }
0x9: {  	[smem:$0x3FA7] =	sst s1  }
0xa: {  	[smem:$0x3FA8] =	sst s2  }
0xb: {  	[smem:$0x3FA9] =	sst s3  }
0xc: {  	[smem:$0x3FAA] =	sst s4  }
0xd: {  	[smem:$0x3FAB] =	sst s5  }
0xe: {  	[smem:$0x3FAC] =	sst s6  }
0xf: {  	[smem:$0x3FAD] =	sst s7  }
0x10: {  	[smem:$0x3FAE] =	sst s8  }
0x11: {  	[smem:$0x3FAF] =	sst s9;
	s0 =	simm.s32 @!p0 $0x0  }
0x12: {  	s1 =	sld [smem:$0x3F95];
	s0 =	simm.s32 @p0 $0x1  }
0x13: {  	[smem:$0x3FB0] =	sst s0;
	s0 =	simm.s32 @!p1 $0x0  }
0x14: {  	s2 =	sld [smem:$0x3F94];
	s0 =	simm.s32 @p1 $0x1  }
0x15: {  	[smem:$0x3FB1] =	sst s0;
	s0 =	simm.s32 @!p2 $0x0  }
0x16: {  	s3 =	sld [smem:$0x3FDB];
	s0 =	simm.s32 @p2 $0x1  }
0x17: {  	s4 =	simm.s32 $0x1BF5;
	[smem:$0x3FB3] =	sst s0  }
0x18: {  	s0 =	sld [smem:$0x3F96];
	_ =	swait.ge [sflag:s4], $0x0  }
0x19: {  	s7 =	sld [smem:$0x3F97]  }
0x1a: {  	s8 =	sadd.s32 $0xFFFFE003, lr  }
0x1b: {  	s9 =	sadd.s32 $0xFFFFFEF7, lr;
	s5 =	simm.s32 $0xFFFFFFFF;
	p2 =	slt.u32 s8, $0xFFFFF086  }
0x1c: {  	p1 =	slt.u32 s9, $0xF7A;
	s5 =	simm.s32 @!p2 $0x0  }
0x1d: {  	s5 =	simm.s32 @p1 $0x1;
	p0 =	seq.s32 s7, s2  }
0x1e: {  	s7 =	smul.u32 @!p0 $0xF7A, s2;
	p2 =	seq.s32 @!p0 s5, $0x0  }
0x1f: {  	s9 =	smul.u32 $0xF7A, s1;
	s8 =	simm.s32 @!p0 $0x1BF5;
	p2 =	por !p2, p0  }
0x20: {  	[sflag:s8] =	ssyncset.s32 @!p0 $0xFFFFF086;
	s6 =	sadd.s32 @!p0 s3, s7;
	s7 =	simm.s32 @!p0 $0x108  }
0x21: {  	s3 =	sadd.s32 s3, s9;
	s6 =	sadd.s32 @!p0 $0x88, s6;
	s7 =	simm.s32 @p2 $0x1082  }
0x22: {  	[simem:s7], [sflag:s8] =	dma.local @!p0 [hbm:s6], $0xF7A  }
0x23: {  	s9 =	sor.u32 $0xD0000000, s2;
	s6 =	simm.s32 $0x108;
	_ =	swait.ge @!p0 [sflag:s8], $0x0  }
0x24: {  	s3 =	sadd.s32 $0x88, s3;
	s6 =	simm.s32 @!p1 $0x1082;
	[sflag:s4] =	ssyncset.s32 $0xFFFFF086  }
0x25: {  	[simem:s6], [sflag:s4] =	dma.local [hbm:s3], $0xF7A  }
0x26: {  	[smem:$0x3F97] =	sst s1;
	(tag) =	ssettag s2;
	_ =	strace s9  }
0x27: {  	s1 =	sld [smem:$0x3FA7]  }
0x28: {  	s2 =	sld [smem:$0x3FA8]  }
0x29: {  	s4 =	sld [smem:$0x3FAA]  }
0x2a: {  	p0 =	seq.s32 s5, $0x0;
	s5 =	sld [smem:$0x3FAB]  }
0x2b: {  	s6 =	sld [smem:$0x3FAC]  }
0x2c: {  	s7 =	sld [smem:$0x3FAD]  }
0x2d: {  	s3 =	simm.s32 $0x108;
	s8 =	sld [smem:$0x3FAE]  }
0x2e: {  	s3 =	simm.s32 @!p0 $0x1082;
	s9 =	sld [smem:$0x3FAF]  }
0x2f: {  	lr =	sadd.s32 s0, s3;
	s0 =	sld [smem:$0x3FA6]  }
0x30: {  	s3 =	sld [smem:$0x3FA9]  }
0x31: {  	[smem:$0x3FB2] =	sst s10  }
0x32: {  	s10 =	sld [smem:$0x3FB0];
	_ =	sdelay $0x3  }
0x33: {  	p0 =	seq.s32 s10, $0x1;
	s10 =	sld [smem:$0x3FB2];
	_ =	sdelay $0x3  }
0x34: {  	[smem:$0x3FB2] =	sst s10  }
0x35: {  	s10 =	sld [smem:$0x3FB1];
	_ =	sdelay $0x3  }
0x36: {  	p1 =	seq.s32 s10, $0x1;
	s10 =	sld [smem:$0x3FB2];
	_ =	sdelay $0x3  }
0x37: {  	[smem:$0x3FB2] =	sst s10  }
0x38: {  	s10 =	sld [smem:$0x3FB3]  }
0x39: {  	_ = 	snop;
	(pc) =	sbr.ind lr, $3  }
0x3a: {  	_ = 	snop  }
0x3b: {  	_ = 	snop  }
0x3c: {  	p2 =	seq.s32 s10, $0x1;
	s10 =	sld [smem:$0x3FB2]  }
0x3d: {  	_ =	shalt  }
0x3e: {  	_ =	shalt  }
0x3f: {  	_ =	shalt  }
0x40: {  	_ =	shalt  }
0x41: {  	_ =	shalt  }
0x42: {  	_ =	shalt  }
0x43: {  	_ =	shalt  }
0x44: {  	_ =	shalt  }
0x45: {  	_ =	shalt  }
0x46: {  	_ =	shalt  }
0x47: {  	_ =	shalt  }
0x48: {  	_ =	shalt  }
0x49: {  	_ =	shalt  }
0x4a: {  	_ =	shalt  }
0x4b: {  	_ =	shalt  }
0x4c: {  	_ =	shalt  }
0x4d: {  	_ =	shalt  }
0x4e: {  	_ =	shalt  }
0x4f: {  	_ =	shalt  }
0x50: {  	_ =	shalt  }
0x51: {  	_ =	shalt  }
0x52: {  	_ =	shalt  }
0x53: {  	_ =	shalt  }
0x54: {  	_ =	shalt  }
0x55: {  	_ =	shalt  }
0x56: {  	_ =	shalt  }
0x57: {  	_ =	shalt  }
0x58: {  	_ =	shalt  }
0x59: {  	_ =	shalt  }
0x5a: {  	_ =	shalt  }
0x5b: {  	_ =	shalt  }
0x5c: {  	_ =	shalt  }
0x5d: {  	_ =	shalt  }
0x5e: {  	_ =	shalt  }
0x5f: {  	_ =	shalt  }
0x60: {  	_ =	shalt  }
0x61: {  	_ =	shalt  }
0x62: {  	_ =	shalt  }
0x63: {  	_ =	shalt  }
0x64: {  	_ =	shalt  }
0x65: {  	_ =	shalt  }
0x66: {  	_ =	shalt  }
0x67: {  	_ =	shalt  }
0x68: {  	_ =	shalt  }
0x69: {  	_ =	shalt  }
0x6a: {  	_ =	shalt  }
0x6b: {  	_ =	shalt  }
0x6c: {  	_ =	shalt  }
0x6d: {  	_ =	shalt  }
0x6e: {  	_ =	shalt  }
0x6f: {  	_ =	shalt  }
0x70: {  	_ =	shalt  }
0x71: {  	_ =	shalt  }
0x72: {  	_ =	shalt  }
0x73: {  	_ =	shalt  }
0x74: {  	_ =	shalt  }
0x75: {  	_ =	shalt  }
0x76: {  	_ =	shalt  }
0x77: {  	_ =	shalt  }
0x78: {  	_ =	shalt  }
0x79: {  	_ =	shalt  }
0x7a: {  	_ =	shalt  }
0x7b: {  	_ =	shalt  }
0x7c: {  	_ =	shalt  }
0x7d: {  	_ =	shalt  }
0x7e: {  	_ =	shalt  }
0x7f: {  	_ =	shalt  }
0x80: {  	_ =	shalt  }
0x81: {  	_ =	shalt  }
0x82: {  	_ =	shalt  }
0x83: {  	_ =	shalt  }
0x84: {  	_ =	shalt  }
0x85: {  	_ =	shalt  }
0x86: {  	_ =	shalt  }
0x87: {  	_ =	shalt  }
.Lfunc_end0:
.L_simem_size_0:
called_computation.1_lowered:
.L_overlay_start_0:
0x88: {  	s2 =	sld [smem:$0x3FD9]  }
0x89: {  	s3 =	sld [smem:$0x3FFE];
	_ =	sdelay $0x1  }
0x8a: {  	s1 =	srdreg.scid  }
0x8b: {  	s0 =	sand.u32 $0x1, s1  }
0x8c: {  	s17 =	sshll.u32 s0, $0xA;
	s2 =	sadd.s32 s3, s2  }
0x8d: {  	s2 =	sadd.s32 s2, s17  }
0x8e: {  	[smem:$0x3FBE] =	sst s2  }
0x8f: {  	_ = 	snop  }
0x90: {  	s2 =	sld [smem:$0x3FD0];
	(tm) =	ssettm $0x1  }
0x91: {  	s18 =	sld [smem:$0x3FFB];
	_ =	sdelay $0x3  }
0x92: {  	_ =	strace s18  }
0x93: {  	s3 =	sld [smem:$0x3FFC];
	_ =	sdelay $0x3  }
0x94: {  	_ =	strace s3  }
0x95: {  	s3 =	sld [smem:$0x3FFD];
	_ =	sdelay $0x3  }
0x96: {  	_ =	strace s3  }
0x97: {  	_ =	strace $0x8FFFFFFF  }
0x98: {  	s19 =	sld [smem:$0x3FDB];
	_ =	sdelay $0x1  }
0x99: {  	s4 =	simm.s32 $_scs_section_size  }
0x9a: {  	s5 =	simm.s32 $_size__tile_overlayer_lowered;
	s6 =	simm.s32 $_tile_overlayer_lowered  }
0x9b: {  	s22 =	simm.s32 $0x1BFF;
	s21 =	sshll.u32 s6, $0x1;
	s3 =	sadd.s32 s4, s19  }
0x9c: {  	s7 =	simm.s32 $0x0;
	s20 =	sshll.u32 s5, $0x1;
	s5 =	sadd.s32 s21, s3  }
0x9d: {  	[timem:s7], [sflag:s22] =	dma.local [hbm:s5], s20  }
0x9e: {  	_ =	swait.ge [sflag:s22], s20  }
0x9f: {  	s4 =	ssub.s32 $0x0, s20;
	[sflag:s22] =	ssyncset.done $0x0  }
0xa0: {  	[sflag:s22] =	ssyncadd.s32 s4;
	_ =	sdelay $0x1  }
0xa1: {  	s23 =	simm.s32 $0x1B8B  }
0xa2: {  	_ =	swait.ge [sflag:s23], $0x1  }
0xa3: {  	[sflag:s23] =	ssyncset.done $0x0  }
0xa4: {  	s25 =	simm.s32 $0x1B8E;
	s24 =	sld [smem:$0x3FFE];
	[sflag:s23] =	ssyncadd.s32 $0xFFFFFFFF  }
0xa5: {  	s26 =	simm.s32 $execute0_lowered;
	[smem:$0x3FD2] =	sst s25  }
0xa6: {  	s5 =	sshll.u32 s26, $0x1;
	_ =	strace $0x80000049;
	[dreg:$0x1] =	wrdreg $0xFFFFFFFF  }
0xa7: {  	s28 =	simm.s32 $_size_execute0_lowered;
	s3 =	sadd.s32 s3, s5;
	[dreg:$0x0] =	wrdreg $0x0  }
0xa8: {  	s5 =	sshll.u32 s28, $0x1;
	[dreg:$0x2] =	wrdreg s3  }
0xa9: {  	[dreg:$0x3] =	wrdreg s5  }
0xaa: {  	[dreg:$0x4] =	wrdreg $0xC0  }
0xab: {  	_ =	task [dreg:s7], $0x5FFFF  }
0xac: {  	[dreg:$0x1] =	wrdreg $0xFFFFFFFF  }
0xad: {  	[dreg:$0x0] =	wrdreg $0x60  }
0xae: {  	[dreg:$0x2] =	wrdreg s24  }
0xaf: {  	[dreg:$0x3] =	wrdreg s2  }
0xb0: {  	[dreg:$0x4] =	wrdreg $0xA0000  }
0xb1: {  	[dreg:$0x5] =	wrdreg $0x9  }
0xb2: {  	_ =	task.clear_ibuf [dreg:s7], $0x6FFFF;
	_ =	strace $0x90000049  }
0xb3: {  	s29 =	simm.s32 $0x9;
	_ =	strace $0x8000004B  }
0xb4: {  	_ =	swait.ge [sflag:s29], $0x1  }
0xb5: {  	[sflag:s29] =	ssyncadd.s32 $0xFFFFFFFF  }
0xb6: {  	_ =	strace $0x9000004B  }
0xb7: {  	_ =	sfence  }
0xb8: {  	s30 =	sld [smem:$0x0];
	_ =	sdelay $0x2  }
0xb9: {  	s31 =	sshll.u32 s1, $0xD;
	s1 =	sshrl.u32 s1, $0x2  }
0xba: {  	s3 =	sand.u32 $0x4000, s31;
	s1 =	sadd.s32 s1, s30  }
0xbb: {  	s0 =	sor.u32 s3, s0;
	s1 =	sshll.u32 s1, $0x11  }
0xbc: {  	s0 =	sor.u32 s1, s0  }
0xbd: {  	s0 =	sadd.s32 $0x8F2B, s0  }
0xbe: {  	[sflag:s0] =	ssyncadd.remote.s32 $0x1  }
0xbf: {  	_ =	sfence.sel $0xFFFF  }
0xc0: {  	[dreg:$0x0] =	wrdreg $0xFFFFFFFF;
	(pc) =	sbr.abs _section_cstart, $3  }
0xc1: {  	[dreg:$0x1] =	wrdreg $0xFFFFFFFF  }
0xc2: {  	_ =	task.clear_ibuf [dreg:s7], $0x2FFFF;
	_ =	strace $0x9FFFFFFF  }
0xc3: {  	(tm) =	ssettm $0x7FFFFFFF  }
tec
execute0_lowered:
.L_overlay_start_1:
0x0: {  	(tag) =	ssettag $0x1  }
0x1: {  	s5 =	rddreg [dreg:$0x0]  }
0x2: {  	s14 =	rddreg [dreg:$0x1]  }
0x3: {  	s1 =	rddreg [dreg:$0x2]  }
0x4: {  	s0 =	rddreg [dreg:$0x3];
	s3 =	simm.s32 $0x0;
	s2 =	srdreg.scid  }
0x5: {  	s17 =	simm.s32 $0x3;
	s18 =	simm.s32 $0x1000;
	s19 =	simm.s32 $0x80  }
0x6: {  	s20 =	simm.s32 $0x6000;
	s21 =	simm.s32 $0x1;
	s6 =	sand.u32 $0x1, s2  }
0x7: {  	s22 =	simm.s32 $0x2;
	s2 =	stileid.u32;
	s7 =	smul.u32 $0x140000, s6  }
0x8: {  	[smem:$0x7FF] =	sst s3;
	s4 =	sadd.s32 $0xD000, s5;
	s8 =	smul.u32 $0x14000, s2  }
0x9: {  	s15 =	sadd.s32 $0x3000, s5;
	s9 =	smul.u32 $0x50, s2;
	s11 =	ssub.s32 $0x2, s6  }
0xa: {  	s28 =	sxor.u32 $0x1, s6;
	s10 =	smul.u32 $0x50000, s2;
	s31 =	sshrl.u32 s11, $0x1  }
0xb: {  	s7 =	sadd.s32 s8, s7;
	s8 =	smul.u32 s9, s28;
	s9 =	sadd.s32 $0x500, s9  }
0xc: {  	_ =	strace $0x8000004A;
	s11 =	ssub.s32 s11, s31;
	s6 =	smul.u32 s6, s9  }
0xd: {  	s29 =	sshrl.u32 s10, $0x2;
	s7 =	sshrl.u32 s7, $0x3;
	s11 =	smax.u32 s11, $0x1  }
0xe: {  	s30 =	sadd.s32 s7, s5;
	s5 =	sadd.s32 s29, s1;
	s12 =	sadd.s32 s8, s6  }
0xf: {  	s6 =	sadd.s32 $0x4000, s5;
	s7 =	sadd.s32 $0x8000, s5;
	s8 =	sadd.s32 $0xC000, s5  }
0x10: {  	s9 =	sadd.s32 $0x10000, s5;
	s10 =	sadd.s32 $0x35000, s30;
	s16 =	sshll.u32 s12, $0x4  }
0x11: {  	s12 =	sadd.s32 s14, s16;
	s13 =	sadd.s32 s15, s16;
	s16 =	sadd.s32 $0x200, s16  }
0x12: {  	v0 =	vimm.f32 $0.0e+00;
	s14 =	sadd.s32 s14, s16;
	s15 =	sadd.s32 s15, s16;
	s16 =	simm.s32 $0x2000  }
.LBB2_1:
0x13: {  	s23 =	simm.s32 $0x0;
	s24 =	simm.s32 $0x200  }
.LBB2_2:
0x14: {  	p0 =	sne.s32 s24, $0xFE00;
	[tilespmem:s23+$0x2070] =	vst v0  }
0x15: {  	[tilespmem:s23+$0x2000] =	vst v0  }
0x16: {  	[tilespmem:s23+$0x2010] =	vst v0  }
.Ltmp0:
0x17: {  	[tilespmem:s23+$0x2020] =	vst v0;
	(pc) =	sbr.rel @p0 .LBB2_2-.Ltmp0, $4  }
0x18: {  	[tilespmem:s23+$0x2030] =	vst v0  }
0x19: {  	[tilespmem:s23+$0x2040] =	vst v0  }
0x1a: {  	[tilespmem:s23+$0x2050] =	vst v0  }
0x1b: {  	[tilespmem:s23+$0x2060] =	vst v0;
	s23 =	sshra.s32 s24, $0x2;
	s24 =	sadd.s32 $0x200, s24  }
0x1c: {  	[tilespmem:s23+$0x2070] =	vst v0  }
0x1d: {  	[tilespmem:s23+$0x2000] =	vst v0  }
0x1e: {  	[tilespmem:s23+$0x2010] =	vst v0  }
0x1f: {  	[tilespmem:s23+$0x2020] =	vst v0  }
0x20: {  	[tilespmem:s23+$0x2030] =	vst v0  }
0x21: {  	[tilespmem:s23+$0x2040] =	vst v0  }
0x22: {  	[tilespmem:s23+$0x2050] =	vst v0  }
0x23: {  	[tilespmem:s23+$0x2060] =	vst v0  }
0x24: {  	[spmem:s5] =	stream.linear.scatter [tilespmem:s16], [sflag:$0x3], $0x4000, $0x38;
	[tilespmem:$0x1E000] =	vst v63  }
0x25: {  	_ =	swait.ge [sflag:s17], $0x4000  }
0x26: {  	[sflag:s17] =	ssyncset.done $0x0  }
0x27: {  	[sflag:s17] =	ssyncadd.s32 $0xFFFFC000  }
0x28: {  	[spmem:s6] =	stream.linear.scatter [tilespmem:s16], [sflag:$0x3], $0x4000, $0x38;
	[tilespmem:$0x1E000] =	vst v63  }
0x29: {  	_ =	swait.ge [sflag:s17], $0x4000  }
0x2a: {  	[sflag:s17] =	ssyncset.done $0x0  }
0x2b: {  	[sflag:s17] =	ssyncadd.s32 $0xFFFFC000  }
0x2c: {  	[spmem:s7] =	stream.linear.scatter [tilespmem:s16], [sflag:$0x3], $0x4000, $0x38;
	[tilespmem:$0x1E000] =	vst v63  }
0x2d: {  	_ =	swait.ge [sflag:s17], $0x4000  }
0x2e: {  	[sflag:s17] =	ssyncset.done $0x0  }
0x2f: {  	[sflag:s17] =	ssyncadd.s32 $0xFFFFC000  }
0x30: {  	[spmem:s8] =	stream.linear.scatter [tilespmem:s16], [sflag:$0x3], $0x4000, $0x38;
	[tilespmem:$0x1E000] =	vst v63  }
0x31: {  	_ =	swait.ge [sflag:s17], $0x4000  }
0x32: {  	[sflag:s17] =	ssyncset.done $0x0  }
0x33: {  	[sflag:s17] =	ssyncadd.s32 $0xFFFFC000  }
0x34: {  	[spmem:s9] =	stream.linear.scatter [tilespmem:s16], [sflag:$0x3], $0x4000, $0x38;
	[tilespmem:$0x1E000] =	vst v63  }
0x35: {  	_ =	swait.ge [sflag:s17], $0x4000  }
0x36: {  	[sflag:s17] =	ssyncset.done $0x0  }
0x37: {  	[sflag:s17] =	ssyncadd.s32 $0xFFFFC000  }
0x38: {  	s26 =	simm.s32 $0x0;
	[bflag:$0x0] =	sbarrier.arrive $0xFFFF  }
0x39: {  	[tilespmem:s26], [sflag:$0x3] =	stream.linear.gather [hbm4b:s12+s26], $0x1000, $0x38;
	[tilespmem:$0x1E000] =	vst v63  }
0x3a: {  	_ =	swait.ge [sflag:s17], $0x1000  }
0x3b: {  	[sflag:s17] =	ssyncset.done $0x0  }
0x3c: {  	[sflag:s17] =	ssyncadd.s32 $0xFFFFF000  }
0x3d: {  	[tilespmem:s18], [sflag:$0x3] =	stream.linear.gather [hbm4b:s13+s26], $0x1000, $0x38;
	[tilespmem:$0x1E000] =	vst v63  }
0x3e: {  	_ =	swait.ge [sflag:s17], $0x1000  }
0x3f: {  	[sflag:s17] =	ssyncset.done $0x0  }
0x40: {  	s28 =	simm.s32 $0x0;
	[sflag:s17] =	ssyncadd.s32 $0xFFFFF000  }
0x41: {  	[tilespmem:s16], [sflag:$0x1] =	stream.indirect.gather [hbm4b:s4+s19], $0x80, s28, s19, $0xb8;
	[tilespmem:$0x1E000] =	vst v63  }
0x42: {  	s29 =	simm.s32 $0x80  }
0x43: {  	[tilespmem:s20], [sflag:$0x2] =	stream.indirect.gather [hbm4b:s4+s19], $0x80, s29, s19, $0xb8;
	[tilespmem:$0x1E000] =	vst v63  }
0x44: {  	_ =	swait.ge [sflag:s21], $0x4000  }
0x45: {  	[sflag:s21] =	ssyncset.done $0x0  }
0x46: {  	s30 =	simm.s32 $0x1000;
	[sflag:s21] =	ssyncadd.s32 $0xFFFFC000  }
0x47: {  	[spmem:s1] =	stream.indirect.scatter.add.f32 [tilespmem:s16], [sflag:$0x3], $0x80, s30, s19, $0xb8;
	[tilespmem:$0x1E000] =	vst v63  }
0x48: {  	_ =	swait.ge [sflag:s17], $0x4000  }
0x49: {  	[sflag:s17] =	ssyncset.done $0x0  }
0x4a: {  	[sflag:s17] =	ssyncadd.s32 $0xFFFFC000  }
0x4b: {  	_ =	swait.ge [sflag:s22], $0x4000  }
0x4c: {  	[sflag:s22] =	ssyncset.done $0x0  }
0x4d: {  	s31 =	simm.s32 $0x1080;
	[sflag:s22] =	ssyncadd.s32 $0xFFFFC000  }
0x4e: {  	[spmem:s1] =	stream.indirect.scatter.add.f32 [tilespmem:s20], [sflag:$0x3], $0x80, s31, s19, $0xb8;
	[tilespmem:$0x1E000] =	vst v63  }
0x4f: {  	_ =	swait.ge [sflag:s17], $0x4000  }
0x50: {  	s23 =	simm.s32 $0x400;
	s24 =	simm.s32 $0x800;
	[sflag:s17] =	ssyncset.done $0x0  }
.LBB2_4:
0x51: {  	s25 =	sshra.s32 s23, $0x2  }
0x52: {  	[sflag:s17] =	ssyncadd.s32 $0xFFFFC000;
	s23 =	smov.u32 s24;
	s26 =	sadd.s32 $0x400, s24  }
0x53: {  	[tilespmem:s16], [sflag:$0x1] =	stream.indirect.gather [hbm4b:s4+s19], $0x80, s25, s19, $0xb8;
	[tilespmem:$0x1E000] =	vst v63  }
0x54: {  	p0 =	sne.s32 s24, $0x3C00;
	s24 =	sadd.s32 $0x80, s25  }
0x55: {  	[tilespmem:s20], [sflag:$0x2] =	stream.indirect.gather [hbm4b:s4+s19], $0x80, s24, s19, $0xb8;
	[tilespmem:$0x1E000] =	vst v63  }
0x56: {  	_ =	swait.ge [sflag:s21], $0x4000  }
0x57: {  	[sflag:s21] =	ssyncset.done $0x0  }
0x58: {  	s24 =	sadd.s32 $0x1000, s25;
	[sflag:s21] =	ssyncadd.s32 $0xFFFFC000  }
0x59: {  	[spmem:s1] =	stream.indirect.scatter.add.f32 [tilespmem:s16], [sflag:$0x3], $0x80, s24, s19, $0xb8;
	[tilespmem:$0x1E000] =	vst v63  }
0x5a: {  	_ =	swait.ge [sflag:s17], $0x4000  }
0x5b: {  	[sflag:s17] =	ssyncset.done $0x0  }
0x5c: {  	[sflag:s17] =	ssyncadd.s32 $0xFFFFC000  }
0x5d: {  	_ =	swait.ge [sflag:s22], $0x4000  }
.Ltmp1:
0x5e: {  	[sflag:s22] =	ssyncset.done $0x0;
	(pc) =	sbr.rel @p0 .LBB2_4-.Ltmp1, $4  }
0x5f: {  	s24 =	sadd.s32 $0x1080, s25;
	[sflag:s22] =	ssyncadd.s32 $0xFFFFC000  }
0x60: {  	[spmem:s1] =	stream.indirect.scatter.add.f32 [tilespmem:s20], [sflag:$0x3], $0x80, s24, s19, $0xb8;
	[tilespmem:$0x1E000] =	vst v63  }
0x61: {  	_ =	swait.ge [sflag:s17], $0x4000  }
0x62: {  	s24 =	smov.u32 s26;
	[sflag:s17] =	ssyncset.done $0x0  }
0x63: {  	s23 =	sshra.s32 s23, $0x2;
	[sflag:s17] =	ssyncadd.s32 $0xFFFFC000  }
0x64: {  	[tilespmem:s16], [sflag:$0x1] =	stream.indirect.gather [hbm4b:s4+s19], $0x80, s23, s19, $0xb8;
	[tilespmem:$0x1E000] =	vst v63  }
0x65: {  	s24 =	sadd.s32 $0x80, s23  }
0x66: {  	[tilespmem:s20], [sflag:$0x2] =	stream.indirect.gather [hbm4b:s4+s19], $0x80, s24, s19, $0xb8;
	[tilespmem:$0x1E000] =	vst v63  }
0x67: {  	_ =	swait.ge [sflag:s21], $0x4000  }
0x68: {  	[sflag:s21] =	ssyncset.done $0x0  }
0x69: {  	s25 =	sadd.s32 $0x1000, s23;
	[sflag:s21] =	ssyncadd.s32 $0xFFFFC000  }
0x6a: {  	[spmem:s1] =	stream.indirect.scatter.add.f32 [tilespmem:s16], [sflag:$0x3], $0x80, s25, s19, $0xb8;
	[tilespmem:$0x1E000] =	vst v63  }
0x6b: {  	_ =	swait.ge [sflag:s17], $0x4000  }
0x6c: {  	[sflag:s17] =	ssyncset.done $0x0  }
0x6d: {  	[sflag:s17] =	ssyncadd.s32 $0xFFFFC000  }
0x6e: {  	_ =	swait.ge [sflag:s22], $0x4000  }
0x6f: {  	[sflag:s22] =	ssyncset.done $0x0  }
0x70: {  	s23 =	sadd.s32 $0x1080, s23;
	[sflag:s22] =	ssyncadd.s32 $0xFFFFC000  }
0x71: {  	[spmem:s1] =	stream.indirect.scatter.add.f32 [tilespmem:s20], [sflag:$0x3], $0x80, s23, s19, $0xb8;
	[tilespmem:$0x1E000] =	vst v63  }
0x72: {  	_ =	swait.ge [sflag:s17], $0x4000  }
0x73: {  	[sflag:s17] =	ssyncset.done $0x0  }
0x74: {  	s26 =	simm.s32 $0x0;
	[sflag:s17] =	ssyncadd.s32 $0xFFFFC000  }
0x75: {  	[tilespmem:s26], [sflag:$0x3] =	stream.linear.gather [hbm4b:s14+s26], $0x1000, $0x38;
	[tilespmem:$0x1E000] =	vst v63  }
0x76: {  	_ =	swait.ge [sflag:s17], $0x1000  }
0x77: {  	[sflag:s17] =	ssyncset.done $0x0  }
0x78: {  	[sflag:s17] =	ssyncadd.s32 $0xFFFFF000  }
0x79: {  	[tilespmem:s18], [sflag:$0x3] =	stream.linear.gather [hbm4b:s15+s26], $0x1000, $0x38;
	[tilespmem:$0x1E000] =	vst v63  }
0x7a: {  	_ =	swait.ge [sflag:s17], $0x1000  }
0x7b: {  	[sflag:s17] =	ssyncset.done $0x0  }
0x7c: {  	s28 =	simm.s32 $0x0;
	[sflag:s17] =	ssyncadd.s32 $0xFFFFF000  }
0x7d: {  	[tilespmem:s16], [sflag:$0x1] =	stream.indirect.gather [hbm4b:s4+s19], $0x80, s28, s19, $0xb8;
	[tilespmem:$0x1E000] =	vst v63  }
0x7e: {  	s29 =	simm.s32 $0x80  }
0x7f: {  	[tilespmem:s20], [sflag:$0x2] =	stream.indirect.gather [hbm4b:s4+s19], $0x80, s29, s19, $0xb8;
	[tilespmem:$0x1E000] =	vst v63  }
0x80: {  	_ =	swait.ge [sflag:s21], $0x4000  }
0x81: {  	[sflag:s21] =	ssyncset.done $0x0  }
0x82: {  	s30 =	simm.s32 $0x1000;
	[sflag:s21] =	ssyncadd.s32 $0xFFFFC000  }
0x83: {  	[spmem:s1] =	stream.indirect.scatter.add.f32 [tilespmem:s16], [sflag:$0x3], $0x80, s30, s19, $0xb8;
	[tilespmem:$0x1E000] =	vst v63  }
0x84: {  	_ =	swait.ge [sflag:s17], $0x4000  }
0x85: {  	[sflag:s17] =	ssyncset.done $0x0  }
0x86: {  	[sflag:s17] =	ssyncadd.s32 $0xFFFFC000  }
0x87: {  	_ =	swait.ge [sflag:s22], $0x4000  }
0x88: {  	[sflag:s22] =	ssyncset.done $0x0  }
0x89: {  	s31 =	simm.s32 $0x1080;
	[sflag:s22] =	ssyncadd.s32 $0xFFFFC000  }
0x8a: {  	[spmem:s1] =	stream.indirect.scatter.add.f32 [tilespmem:s20], [sflag:$0x3], $0x80, s31, s19, $0xb8;
	[tilespmem:$0x1E000] =	vst v63  }
0x8b: {  	_ =	swait.ge [sflag:s17], $0x4000  }
0x8c: {  	s24 =	simm.s32 $0x800;
	s23 =	simm.s32 $0x400;
	[sflag:s17] =	ssyncset.done $0x0  }
.LBB2_6:
0x8d: {  	s25 =	sshra.s32 s23, $0x2  }
0x8e: {  	[sflag:s17] =	ssyncadd.s32 $0xFFFFC000;
	s23 =	smov.u32 s24;
	s26 =	sadd.s32 $0x400, s24  }
0x8f: {  	[tilespmem:s16], [sflag:$0x1] =	stream.indirect.gather [hbm4b:s4+s19], $0x80, s25, s19, $0xb8;
	[tilespmem:$0x1E000] =	vst v63  }
0x90: {  	p0 =	sne.s32 s24, $0x3C00;
	s24 =	sadd.s32 $0x80, s25  }
0x91: {  	[tilespmem:s20], [sflag:$0x2] =	stream.indirect.gather [hbm4b:s4+s19], $0x80, s24, s19, $0xb8;
	[tilespmem:$0x1E000] =	vst v63  }
0x92: {  	_ =	swait.ge [sflag:s21], $0x4000  }
0x93: {  	[sflag:s21] =	ssyncset.done $0x0  }
0x94: {  	s24 =	sadd.s32 $0x1000, s25;
	[sflag:s21] =	ssyncadd.s32 $0xFFFFC000  }
0x95: {  	[spmem:s1] =	stream.indirect.scatter.add.f32 [tilespmem:s16], [sflag:$0x3], $0x80, s24, s19, $0xb8;
	[tilespmem:$0x1E000] =	vst v63  }
0x96: {  	_ =	swait.ge [sflag:s17], $0x4000  }
0x97: {  	[sflag:s17] =	ssyncset.done $0x0  }
0x98: {  	[sflag:s17] =	ssyncadd.s32 $0xFFFFC000  }
0x99: {  	_ =	swait.ge [sflag:s22], $0x4000  }
.Ltmp2:
0x9a: {  	[sflag:s22] =	ssyncset.done $0x0;
	(pc) =	sbr.rel @p0 .LBB2_6-.Ltmp2, $4  }
0x9b: {  	s24 =	sadd.s32 $0x1080, s25;
	[sflag:s22] =	ssyncadd.s32 $0xFFFFC000  }
0x9c: {  	[spmem:s1] =	stream.indirect.scatter.add.f32 [tilespmem:s20], [sflag:$0x3], $0x80, s24, s19, $0xb8;
	[tilespmem:$0x1E000] =	vst v63  }
0x9d: {  	_ =	swait.ge [sflag:s17], $0x4000  }
0x9e: {  	s24 =	smov.u32 s26;
	[sflag:s17] =	ssyncset.done $0x0  }
0x9f: {  	s23 =	sshra.s32 s23, $0x2;
	[sflag:s17] =	ssyncadd.s32 $0xFFFFC000  }
0xa0: {  	[tilespmem:s16], [sflag:$0x1] =	stream.indirect.gather [hbm4b:s4+s19], $0x80, s23, s19, $0xb8;
	[tilespmem:$0x1E000] =	vst v63  }
0xa1: {  	s24 =	sadd.s32 $0x80, s23  }
0xa2: {  	[tilespmem:s20], [sflag:$0x2] =	stream.indirect.gather [hbm4b:s4+s19], $0x80, s24, s19, $0xb8;
	[tilespmem:$0x1E000] =	vst v63  }
0xa3: {  	_ =	swait.ge [sflag:s21], $0x4000  }
0xa4: {  	[sflag:s21] =	ssyncset.done $0x0  }
0xa5: {  	s29 =	sadd.s32 $0x1000, s23;
	[sflag:s21] =	ssyncadd.s32 $0xFFFFC000  }
0xa6: {  	[spmem:s1] =	stream.indirect.scatter.add.f32 [tilespmem:s16], [sflag:$0x3], $0x80, s29, s19, $0xb8;
	[tilespmem:$0x1E000] =	vst v63  }
0xa7: {  	_ =	swait.ge [sflag:s17], $0x4000  }
0xa8: {  	[sflag:s17] =	ssyncset.done $0x0  }
0xa9: {  	[sflag:s17] =	ssyncadd.s32 $0xFFFFC000  }
0xaa: {  	_ =	swait.ge [sflag:s22], $0x4000  }
0xab: {  	[sflag:s22] =	ssyncset.done $0x0  }
0xac: {  	s23 =	sadd.s32 $0x1080, s23;
	[sflag:s22] =	ssyncadd.s32 $0xFFFFC000  }
0xad: {  	[spmem:s1] =	stream.indirect.scatter.add.f32 [tilespmem:s20], [sflag:$0x3], $0x80, s23, s19, $0xb8;
	[tilespmem:$0x1E000] =	vst v63  }
0xae: {  	_ =	swait.ge [sflag:s17], $0x4000  }
0xaf: {  	s30 =	sshll.u32 s2, $0x6;
	s3 =	sadd.s32 $0x1, s3;
	[sflag:s17] =	ssyncset.done $0x0  }
0xb0: {  	s31 =	sshrl.u32 s5, $0x3;
	p0 =	sne.s32 s3, s11;
	[sflag:s17] =	ssyncadd.s32 $0xFFFFC000  }
.Ltmp3:
0xb1: {  	s23 =	sor.u32 $0x1C03, s30;
	[bflag:$0x0] =	sbarrier.arrive $0xFFFF;
	(pc) =	sbr.rel @p0 .LBB2_1-.Ltmp3, $4  }
0xb2: {  	[hbm:s10], [sflag:s23] =	dma.local [spmem:s31], $0x2800  }
0xb3: {  	_ =	swait.ge [sflag:s17], $0x2800  }
0xb4: {  	[sflag:s17] =	ssyncset.done $0x0  }
0xb5: {  	[sflag:s17] =	ssyncadd.s32 $0xFFFFD800  }
0xb6: {  	_ =	sfence.sel $0x180000  }
0xb7: {  	[bflag:$0x0] =	sbarrier.arrive $0xFFFF  }
0xb8: {  	p0 =	sne.s32 s2, $0x0;
	_ =	strace $0x9000004A  }
0xb9: {  	s0 =	sadd.s32 @!p0 $0x100000, s0;
	[bflag:$0x2] =	sbarrier.arrive $0xFFFF  }
0xba: {  	[sflag:s0] =	ssyncadd.tile.s32 @!p0 $0x1;
	_ =	shalt  }
.Lfunc_end2:
_tile_overlayer_lowered:
.L_overlay_start_2:
0xbb: {  	(tag) =	ssettag $0x2  }
0xbc: {  	s0 =	rddreg [dreg:$0x0];
	s2 =	stileid.u32  }
0xbd: {  	s1 =	rddreg [dreg:$0x1];
	p0 =	sne.s32 s2, $0x0  }
0xbe: {  	s3 =	rddreg [dreg:$0x2];
	[bflag:$0x3] =	sbarrier.arrive $0xFFFF;
	s2 =	simm.s32 @!p0 $0x1C03  }
0xbf: {  	[timem:s3], [sflag:s2] =	dma.local @!p0 [hbm:s0], s1  }
0xc0: {  	s0 =	simm.s32 @!p0 $0x3  }
0xc1: {  	_ =	swait.ge @!p0 [sflag:s0], s1  }
0xc2: {  	s1 =	ssub.s32 @!p0 $0x0, s1;
	[sflag:s0] =	ssyncset.done @!p0 $0x0  }
0xc3: {  	[sflag:s0] =	ssyncadd.s32 @!p0 s1  }
0xc4: {  	[bflag:$0x3] =	sbarrier.arrive $0xFFFF  }
0xc5: {  	_ =	shalt  }

// kernel: kernel.14.cloned.1.call-start
scs
__scs_entry_jumppad:
0x0: {  	(pc) =	sbr.rel $0x88, $3  }
0x1: {  	(tag) =	ssettag $0x0;
	lr =	simm.s32 $0x1  }
0x2: {  	[smem:$0x3F97] =	sst lr;
	_ =	strace $0xD0000000  }
0x3: {  	_ = 	snop  }
0x4: {  	_ = 	snop  }
0x5: {  	_ = 	snop  }
0x6: {  	_ = 	snop  }
0x7: {  	_ = 	snop  }
__scs_overlays_trampoline_lowered:
0x8: {  	[smem:$0x3FA6] =	sst s0  }
0x9: {  	[smem:$0x3FA7] =	sst s1  }
0xa: {  	[smem:$0x3FA8] =	sst s2  }
0xb: {  	[smem:$0x3FA9] =	sst s3  }
0xc: {  	[smem:$0x3FAA] =	sst s4  }
0xd: {  	[smem:$0x3FAB] =	sst s5  }
0xe: {  	[smem:$0x3FAC] =	sst s6  }
0xf: {  	[smem:$0x3FAD] =	sst s7  }
0x10: {  	[smem:$0x3FAE] =	sst s8  }
0x11: {  	[smem:$0x3FAF] =	sst s9;
	s0 =	simm.s32 @!p0 $0x0  }
0x12: {  	s1 =	sld [smem:$0x3F95];
	s0 =	simm.s32 @p0 $0x1  }
0x13: {  	[smem:$0x3FB0] =	sst s0;
	s0 =	simm.s32 @!p1 $0x0  }
0x14: {  	s2 =	sld [smem:$0x3F94];
	s0 =	simm.s32 @p1 $0x1  }
0x15: {  	[smem:$0x3FB1] =	sst s0;
	s0 =	simm.s32 @!p2 $0x0  }
0x16: {  	s3 =	sld [smem:$0x3FDB];
	s0 =	simm.s32 @p2 $0x1  }
0x17: {  	s4 =	simm.s32 $0x1BF5;
	[smem:$0x3FB3] =	sst s0  }
0x18: {  	s0 =	sld [smem:$0x3F96];
	_ =	swait.ge [sflag:s4], $0x0  }
0x19: {  	s7 =	sld [smem:$0x3F97]  }
0x1a: {  	s8 =	sadd.s32 $0xFFFFE003, lr  }
0x1b: {  	s9 =	sadd.s32 $0xFFFFFEF7, lr;
	s5 =	simm.s32 $0xFFFFFFFF;
	p2 =	slt.u32 s8, $0xFFFFF086  }
0x1c: {  	p1 =	slt.u32 s9, $0xF7A;
	s5 =	simm.s32 @!p2 $0x0  }
0x1d: {  	s5 =	simm.s32 @p1 $0x1;
	p0 =	seq.s32 s7, s2  }
0x1e: {  	s7 =	smul.u32 @!p0 $0xF7A, s2;
	p2 =	seq.s32 @!p0 s5, $0x0  }
0x1f: {  	s9 =	smul.u32 $0xF7A, s1;
	s8 =	simm.s32 @!p0 $0x1BF5;
	p2 =	por !p2, p0  }
0x20: {  	[sflag:s8] =	ssyncset.s32 @!p0 $0xFFFFF086;
	s6 =	sadd.s32 @!p0 s3, s7;
	s7 =	simm.s32 @!p0 $0x108  }
0x21: {  	s3 =	sadd.s32 s3, s9;
	s6 =	sadd.s32 @!p0 $0x88, s6;
	s7 =	simm.s32 @p2 $0x1082  }
0x22: {  	[simem:s7], [sflag:s8] =	dma.local @!p0 [hbm:s6], $0xF7A  }
0x23: {  	s9 =	sor.u32 $0xD0000000, s2;
	s6 =	simm.s32 $0x108;
	_ =	swait.ge @!p0 [sflag:s8], $0x0  }
0x24: {  	s3 =	sadd.s32 $0x88, s3;
	s6 =	simm.s32 @!p1 $0x1082;
	[sflag:s4] =	ssyncset.s32 $0xFFFFF086  }
0x25: {  	[simem:s6], [sflag:s4] =	dma.local [hbm:s3], $0xF7A  }
0x26: {  	[smem:$0x3F97] =	sst s1;
	(tag) =	ssettag s2;
	_ =	strace s9  }
0x27: {  	s1 =	sld [smem:$0x3FA7]  }
0x28: {  	s2 =	sld [smem:$0x3FA8]  }
0x29: {  	s4 =	sld [smem:$0x3FAA]  }
0x2a: {  	p0 =	seq.s32 s5, $0x0;
	s5 =	sld [smem:$0x3FAB]  }
0x2b: {  	s6 =	sld [smem:$0x3FAC]  }
0x2c: {  	s7 =	sld [smem:$0x3FAD]  }
0x2d: {  	s3 =	simm.s32 $0x108;
	s8 =	sld [smem:$0x3FAE]  }
0x2e: {  	s3 =	simm.s32 @!p0 $0x1082;
	s9 =	sld [smem:$0x3FAF]  }
0x2f: {  	lr =	sadd.s32 s0, s3;
	s0 =	sld [smem:$0x3FA6]  }
0x30: {  	s3 =	sld [smem:$0x3FA9]  }
0x31: {  	[smem:$0x3FB2] =	sst s10  }
0x32: {  	s10 =	sld [smem:$0x3FB0];
	_ =	sdelay $0x3  }
0x33: {  	p0 =	seq.s32 s10, $0x1;
	s10 =	sld [smem:$0x3FB2];
	_ =	sdelay $0x3  }
0x34: {  	[smem:$0x3FB2] =	sst s10  }
0x35: {  	s10 =	sld [smem:$0x3FB1];
	_ =	sdelay $0x3  }
0x36: {  	p1 =	seq.s32 s10, $0x1;
	s10 =	sld [smem:$0x3FB2];
	_ =	sdelay $0x3  }
0x37: {  	[smem:$0x3FB2] =	sst s10  }
0x38: {  	s10 =	sld [smem:$0x3FB3]  }
0x39: {  	_ = 	snop;
	(pc) =	sbr.ind lr, $3  }
0x3a: {  	_ = 	snop  }
0x3b: {  	_ = 	snop  }
0x3c: {  	p2 =	seq.s32 s10, $0x1;
	s10 =	sld [smem:$0x3FB2]  }
0x3d: {  	_ =	shalt  }
0x3e: {  	_ =	shalt  }
0x3f: {  	_ =	shalt  }
0x40: {  	_ =	shalt  }
0x41: {  	_ =	shalt  }
0x42: {  	_ =	shalt  }
0x43: {  	_ =	shalt  }
0x44: {  	_ =	shalt  }
0x45: {  	_ =	shalt  }
0x46: {  	_ =	shalt  }
0x47: {  	_ =	shalt  }
0x48: {  	_ =	shalt  }
0x49: {  	_ =	shalt  }
0x4a: {  	_ =	shalt  }
0x4b: {  	_ =	shalt  }
0x4c: {  	_ =	shalt  }
0x4d: {  	_ =	shalt  }
0x4e: {  	_ =	shalt  }
0x4f: {  	_ =	shalt  }
0x50: {  	_ =	shalt  }
0x51: {  	_ =	shalt  }
0x52: {  	_ =	shalt  }
0x53: {  	_ =	shalt  }
0x54: {  	_ =	shalt  }
0x55: {  	_ =	shalt  }
0x56: {  	_ =	shalt  }
0x57: {  	_ =	shalt  }
0x58: {  	_ =	shalt  }
0x59: {  	_ =	shalt  }
0x5a: {  	_ =	shalt  }
0x5b: {  	_ =	shalt  }
0x5c: {  	_ =	shalt  }
0x5d: {  	_ =	shalt  }
0x5e: {  	_ =	shalt  }
0x5f: {  	_ =	shalt  }
0x60: {  	_ =	shalt  }
0x61: {  	_ =	shalt  }
0x62: {  	_ =	shalt  }
0x63: {  	_ =	shalt  }
0x64: {  	_ =	shalt  }
0x65: {  	_ =	shalt  }
0x66: {  	_ =	shalt  }
0x67: {  	_ =	shalt  }
0x68: {  	_ =	shalt  }
0x69: {  	_ =	shalt  }
0x6a: {  	_ =	shalt  }
0x6b: {  	_ =	shalt  }
0x6c: {  	_ =	shalt  }
0x6d: {  	_ =	shalt  }
0x6e: {  	_ =	shalt  }
0x6f: {  	_ =	shalt  }
0x70: {  	_ =	shalt  }
0x71: {  	_ =	shalt  }
0x72: {  	_ =	shalt  }
0x73: {  	_ =	shalt  }
0x74: {  	_ =	shalt  }
0x75: {  	_ =	shalt  }
0x76: {  	_ =	shalt  }
0x77: {  	_ =	shalt  }
0x78: {  	_ =	shalt  }
0x79: {  	_ =	shalt  }
0x7a: {  	_ =	shalt  }
0x7b: {  	_ =	shalt  }
0x7c: {  	_ =	shalt  }
0x7d: {  	_ =	shalt  }
0x7e: {  	_ =	shalt  }
0x7f: {  	_ =	shalt  }
0x80: {  	_ =	shalt  }
0x81: {  	_ =	shalt  }
0x82: {  	_ =	shalt  }
0x83: {  	_ =	shalt  }
0x84: {  	_ =	shalt  }
0x85: {  	_ =	shalt  }
0x86: {  	_ =	shalt  }
0x87: {  	_ =	shalt  }
.Lfunc_end0:
.L_simem_size_0:
called_computation.2_lowered:
.L_overlay_start_0:
0x88: {  	s2 =	sld [smem:$0x3FD9]  }
0x89: {  	s3 =	sld [smem:$0x3FFE];
	_ =	sdelay $0x1  }
0x8a: {  	s1 =	srdreg.scid  }
0x8b: {  	s0 =	sand.u32 $0x1, s1  }
0x8c: {  	s17 =	sshll.u32 s0, $0xA;
	s2 =	sadd.s32 s3, s2  }
0x8d: {  	s2 =	sadd.s32 s2, s17  }
0x8e: {  	[smem:$0x3FBE] =	sst s2  }
0x8f: {  	_ = 	snop  }
0x90: {  	s2 =	sld [smem:$0x3FD0];
	(tm) =	ssettm $0x1  }
0x91: {  	s18 =	sld [smem:$0x3FFB];
	_ =	sdelay $0x3  }
0x92: {  	_ =	strace s18  }
0x93: {  	s3 =	sld [smem:$0x3FFC];
	_ =	sdelay $0x3  }
0x94: {  	_ =	strace s3  }
0x95: {  	s3 =	sld [smem:$0x3FFD];
	_ =	sdelay $0x3  }
0x96: {  	_ =	strace s3  }
0x97: {  	_ =	strace $0x8FFFFFFF  }
0x98: {  	s19 =	sld [smem:$0x3FDB];
	_ =	sdelay $0x1  }
0x99: {  	s4 =	simm.s32 $_scs_section_size  }
0x9a: {  	s5 =	simm.s32 $_size__tile_overlayer_lowered;
	s6 =	simm.s32 $_tile_overlayer_lowered  }
0x9b: {  	s22 =	simm.s32 $0x1BFF;
	s21 =	sshll.u32 s6, $0x1;
	s3 =	sadd.s32 s4, s19  }
0x9c: {  	s7 =	simm.s32 $0x0;
	s20 =	sshll.u32 s5, $0x1;
	s5 =	sadd.s32 s21, s3  }
0x9d: {  	[timem:s7], [sflag:s22] =	dma.local [hbm:s5], s20  }
0x9e: {  	_ =	swait.ge [sflag:s22], s20  }
0x9f: {  	s4 =	ssub.s32 $0x0, s20;
	[sflag:s22] =	ssyncset.done $0x0  }
0xa0: {  	[sflag:s22] =	ssyncadd.s32 s4;
	_ =	sdelay $0x1  }
0xa1: {  	s23 =	simm.s32 $0x1B8B  }
0xa2: {  	_ =	swait.ge [sflag:s23], $0x1  }
0xa3: {  	[sflag:s23] =	ssyncset.done $0x0  }
0xa4: {  	s25 =	simm.s32 $0x1B8E;
	s24 =	sld [smem:$0x3FFE];
	[sflag:s23] =	ssyncadd.s32 $0xFFFFFFFF  }
0xa5: {  	s26 =	simm.s32 $execute0_lowered;
	[smem:$0x3FD2] =	sst s25  }
0xa6: {  	s5 =	sshll.u32 s26, $0x1;
	_ =	strace $0x8000004C;
	[dreg:$0x1] =	wrdreg $0xFFFFFFFF  }
0xa7: {  	s28 =	simm.s32 $_size_execute0_lowered;
	s3 =	sadd.s32 s3, s5;
	[dreg:$0x0] =	wrdreg $0x0  }
0xa8: {  	s5 =	sshll.u32 s28, $0x1;
	[dreg:$0x2] =	wrdreg s3  }
0xa9: {  	[dreg:$0x3] =	wrdreg s5  }
0xaa: {  	[dreg:$0x4] =	wrdreg $0xC0  }
0xab: {  	_ =	task [dreg:s7], $0x5FFFF  }
0xac: {  	[dreg:$0x1] =	wrdreg $0xFFFFFFFF  }
0xad: {  	[dreg:$0x0] =	wrdreg $0x60  }
0xae: {  	[dreg:$0x2] =	wrdreg s24  }
0xaf: {  	[dreg:$0x3] =	wrdreg s2  }
0xb0: {  	[dreg:$0x4] =	wrdreg $0xA0000  }
0xb1: {  	[dreg:$0x5] =	wrdreg $0x9  }
0xb2: {  	_ =	task.clear_ibuf [dreg:s7], $0x6FFFF;
	_ =	strace $0x9000004C  }
0xb3: {  	s29 =	simm.s32 $0x9;
	_ =	strace $0x8000004E  }
0xb4: {  	_ =	swait.ge [sflag:s29], $0x1  }
0xb5: {  	[sflag:s29] =	ssyncadd.s32 $0xFFFFFFFF  }
0xb6: {  	_ =	strace $0x9000004E  }
0xb7: {  	_ =	sfence  }
0xb8: {  	s30 =	sld [smem:$0x0];
	_ =	sdelay $0x2  }
0xb9: {  	s31 =	sshll.u32 s1, $0xD;
	s1 =	sshrl.u32 s1, $0x2  }
0xba: {  	s3 =	sand.u32 $0x4000, s31;
	s1 =	sadd.s32 s1, s30  }
0xbb: {  	s0 =	sor.u32 s3, s0;
	s1 =	sshll.u32 s1, $0x11  }
0xbc: {  	s0 =	sor.u32 s1, s0  }
0xbd: {  	s0 =	sadd.s32 $0x8F2B, s0  }
0xbe: {  	[sflag:s0] =	ssyncadd.remote.s32 $0x1  }
0xbf: {  	_ =	sfence.sel $0xFFFF  }
0xc0: {  	[dreg:$0x0] =	wrdreg $0xFFFFFFFF;
	(pc) =	sbr.abs _section_cstart, $3  }
0xc1: {  	[dreg:$0x1] =	wrdreg $0xFFFFFFFF  }
0xc2: {  	_ =	task.clear_ibuf [dreg:s7], $0x2FFFF;
	_ =	strace $0x9FFFFFFF  }
0xc3: {  	(tm) =	ssettm $0x7FFFFFFF  }
tec
execute0_lowered:
.L_overlay_start_1:
0x0: {  	(tag) =	ssettag $0x1  }
0x1: {  	s5 =	rddreg [dreg:$0x0]  }
0x2: {  	s14 =	rddreg [dreg:$0x1]  }
0x3: {  	s1 =	rddreg [dreg:$0x2]  }
0x4: {  	s0 =	rddreg [dreg:$0x3];
	s3 =	simm.s32 $0x0;
	s2 =	srdreg.scid  }
0x5: {  	s17 =	simm.s32 $0x3;
	s18 =	simm.s32 $0x1000;
	s19 =	simm.s32 $0x80  }
0x6: {  	s20 =	simm.s32 $0x6000;
	s21 =	simm.s32 $0x1;
	s6 =	sand.u32 $0x1, s2  }
0x7: {  	s22 =	simm.s32 $0x2;
	s2 =	stileid.u32;
	s7 =	smul.u32 $0x140000, s6  }
0x8: {  	[smem:$0x7FF] =	sst s3;
	s4 =	sadd.s32 $0xD000, s5;
	s8 =	smul.u32 $0x14000, s2  }
0x9: {  	s15 =	sadd.s32 $0x3000, s5;
	s9 =	smul.u32 $0x50, s2;
	s11 =	ssub.s32 $0x2, s6  }
0xa: {  	s28 =	sxor.u32 $0x1, s6;
	s10 =	smul.u32 $0x50000, s2;
	s31 =	sshrl.u32 s11, $0x1  }
0xb: {  	s7 =	sadd.s32 s8, s7;
	s8 =	smul.u32 s9, s28;
	s9 =	sadd.s32 $0x500, s9  }
0xc: {  	_ =	strace $0x8000004D;
	s11 =	ssub.s32 s11, s31;
	s6 =	smul.u32 s6, s9  }
0xd: {  	s29 =	sshrl.u32 s10, $0x2;
	s7 =	sshrl.u32 s7, $0x3;
	s11 =	smax.u32 s11, $0x1  }
0xe: {  	s30 =	sadd.s32 s7, s5;
	s5 =	sadd.s32 s29, s1;
	s12 =	sadd.s32 s8, s6  }
0xf: {  	s6 =	sadd.s32 $0x4000, s5;
	s7 =	sadd.s32 $0x8000, s5;
	s8 =	sadd.s32 $0xC000, s5  }
0x10: {  	s9 =	sadd.s32 $0x10000, s5;
	s10 =	sadd.s32 $0x35000, s30;
	s16 =	sshll.u32 s12, $0x4  }
0x11: {  	s12 =	sadd.s32 s14, s16;
	s13 =	sadd.s32 s15, s16;
	s16 =	sadd.s32 $0x200, s16  }
0x12: {  	v0 =	vimm.f32 $0.0e+00;
	s14 =	sadd.s32 s14, s16;
	s15 =	sadd.s32 s15, s16;
	s16 =	simm.s32 $0x2000  }
.LBB2_1:
0x13: {  	s23 =	simm.s32 $0x0;
	s24 =	simm.s32 $0x200  }
.LBB2_2:
0x14: {  	p0 =	sne.s32 s24, $0xFE00;
	[tilespmem:s23+$0x2070] =	vst v0  }
0x15: {  	[tilespmem:s23+$0x2000] =	vst v0  }
0x16: {  	[tilespmem:s23+$0x2010] =	vst v0  }
.Ltmp0:
0x17: {  	[tilespmem:s23+$0x2020] =	vst v0;
	(pc) =	sbr.rel @p0 .LBB2_2-.Ltmp0, $4  }
0x18: {  	[tilespmem:s23+$0x2030] =	vst v0  }
0x19: {  	[tilespmem:s23+$0x2040] =	vst v0  }
0x1a: {  	[tilespmem:s23+$0x2050] =	vst v0  }
0x1b: {  	[tilespmem:s23+$0x2060] =	vst v0;
	s23 =	sshra.s32 s24, $0x2;
	s24 =	sadd.s32 $0x200, s24  }
0x1c: {  	[tilespmem:s23+$0x2070] =	vst v0  }
0x1d: {  	[tilespmem:s23+$0x2000] =	vst v0  }
0x1e: {  	[tilespmem:s23+$0x2010] =	vst v0  }
0x1f: {  	[tilespmem:s23+$0x2020] =	vst v0  }
0x20: {  	[tilespmem:s23+$0x2030] =	vst v0  }
0x21: {  	[tilespmem:s23+$0x2040] =	vst v0  }
0x22: {  	[tilespmem:s23+$0x2050] =	vst v0  }
0x23: {  	[tilespmem:s23+$0x2060] =	vst v0  }
0x24: {  	[spmem:s5] =	stream.linear.scatter [tilespmem:s16], [sflag:$0x3], $0x4000, $0x38;
	[tilespmem:$0x1E000] =	vst v63  }
0x25: {  	_ =	swait.ge [sflag:s17], $0x4000  }
0x26: {  	[sflag:s17] =	ssyncset.done $0x0  }
0x27: {  	[sflag:s17] =	ssyncadd.s32 $0xFFFFC000  }
0x28: {  	[spmem:s6] =	stream.linear.scatter [tilespmem:s16], [sflag:$0x3], $0x4000, $0x38;
	[tilespmem:$0x1E000] =	vst v63  }
0x29: {  	_ =	swait.ge [sflag:s17], $0x4000  }
0x2a: {  	[sflag:s17] =	ssyncset.done $0x0  }
0x2b: {  	[sflag:s17] =	ssyncadd.s32 $0xFFFFC000  }
0x2c: {  	[spmem:s7] =	stream.linear.scatter [tilespmem:s16], [sflag:$0x3], $0x4000, $0x38;
	[tilespmem:$0x1E000] =	vst v63  }
0x2d: {  	_ =	swait.ge [sflag:s17], $0x4000  }
0x2e: {  	[sflag:s17] =	ssyncset.done $0x0  }
0x2f: {  	[sflag:s17] =	ssyncadd.s32 $0xFFFFC000  }
0x30: {  	[spmem:s8] =	stream.linear.scatter [tilespmem:s16], [sflag:$0x3], $0x4000, $0x38;
	[tilespmem:$0x1E000] =	vst v63  }
0x31: {  	_ =	swait.ge [sflag:s17], $0x4000  }
0x32: {  	[sflag:s17] =	ssyncset.done $0x0  }
0x33: {  	[sflag:s17] =	ssyncadd.s32 $0xFFFFC000  }
0x34: {  	[spmem:s9] =	stream.linear.scatter [tilespmem:s16], [sflag:$0x3], $0x4000, $0x38;
	[tilespmem:$0x1E000] =	vst v63  }
0x35: {  	_ =	swait.ge [sflag:s17], $0x4000  }
0x36: {  	[sflag:s17] =	ssyncset.done $0x0  }
0x37: {  	[sflag:s17] =	ssyncadd.s32 $0xFFFFC000  }
0x38: {  	s26 =	simm.s32 $0x0;
	[bflag:$0x0] =	sbarrier.arrive $0xFFFF  }
0x39: {  	[tilespmem:s26], [sflag:$0x3] =	stream.linear.gather [hbm4b:s12+s26], $0x1000, $0x38;
	[tilespmem:$0x1E000] =	vst v63  }
0x3a: {  	_ =	swait.ge [sflag:s17], $0x1000  }
0x3b: {  	[sflag:s17] =	ssyncset.done $0x0  }
0x3c: {  	[sflag:s17] =	ssyncadd.s32 $0xFFFFF000  }
0x3d: {  	[tilespmem:s18], [sflag:$0x3] =	stream.linear.gather [hbm4b:s13+s26], $0x1000, $0x38;
	[tilespmem:$0x1E000] =	vst v63  }
0x3e: {  	_ =	swait.ge [sflag:s17], $0x1000  }
0x3f: {  	[sflag:s17] =	ssyncset.done $0x0  }
0x40: {  	s28 =	simm.s32 $0x0;
	[sflag:s17] =	ssyncadd.s32 $0xFFFFF000  }
0x41: {  	[tilespmem:s16], [sflag:$0x1] =	stream.indirect.gather [hbm4b:s4+s19], $0x80, s28, s19, $0xb8;
	[tilespmem:$0x1E000] =	vst v63  }
0x42: {  	s29 =	simm.s32 $0x80  }
0x43: {  	[tilespmem:s20], [sflag:$0x2] =	stream.indirect.gather [hbm4b:s4+s19], $0x80, s29, s19, $0xb8;
	[tilespmem:$0x1E000] =	vst v63  }
0x44: {  	_ =	swait.ge [sflag:s21], $0x4000  }
0x45: {  	[sflag:s21] =	ssyncset.done $0x0  }
0x46: {  	s30 =	simm.s32 $0x1000;
	[sflag:s21] =	ssyncadd.s32 $0xFFFFC000  }
0x47: {  	[spmem:s1] =	stream.indirect.scatter.add.f32 [tilespmem:s16], [sflag:$0x3], $0x80, s30, s19, $0xb8;
	[tilespmem:$0x1E000] =	vst v63  }
0x48: {  	_ =	swait.ge [sflag:s17], $0x4000  }
0x49: {  	[sflag:s17] =	ssyncset.done $0x0  }
0x4a: {  	[sflag:s17] =	ssyncadd.s32 $0xFFFFC000  }
0x4b: {  	_ =	swait.ge [sflag:s22], $0x4000  }
0x4c: {  	[sflag:s22] =	ssyncset.done $0x0  }
0x4d: {  	s31 =	simm.s32 $0x1080;
	[sflag:s22] =	ssyncadd.s32 $0xFFFFC000  }
0x4e: {  	[spmem:s1] =	stream.indirect.scatter.add.f32 [tilespmem:s20], [sflag:$0x3], $0x80, s31, s19, $0xb8;
	[tilespmem:$0x1E000] =	vst v63  }
0x4f: {  	_ =	swait.ge [sflag:s17], $0x4000  }
0x50: {  	s23 =	simm.s32 $0x400;
	s24 =	simm.s32 $0x800;
	[sflag:s17] =	ssyncset.done $0x0  }
.LBB2_4:
0x51: {  	s25 =	sshra.s32 s23, $0x2  }
0x52: {  	[sflag:s17] =	ssyncadd.s32 $0xFFFFC000;
	s23 =	smov.u32 s24;
	s26 =	sadd.s32 $0x400, s24  }
0x53: {  	[tilespmem:s16], [sflag:$0x1] =	stream.indirect.gather [hbm4b:s4+s19], $0x80, s25, s19, $0xb8;
	[tilespmem:$0x1E000] =	vst v63  }
0x54: {  	p0 =	sne.s32 s24, $0x3C00;
	s24 =	sadd.s32 $0x80, s25  }
0x55: {  	[tilespmem:s20], [sflag:$0x2] =	stream.indirect.gather [hbm4b:s4+s19], $0x80, s24, s19, $0xb8;
	[tilespmem:$0x1E000] =	vst v63  }
0x56: {  	_ =	swait.ge [sflag:s21], $0x4000  }
0x57: {  	[sflag:s21] =	ssyncset.done $0x0  }
0x58: {  	s24 =	sadd.s32 $0x1000, s25;
	[sflag:s21] =	ssyncadd.s32 $0xFFFFC000  }
0x59: {  	[spmem:s1] =	stream.indirect.scatter.add.f32 [tilespmem:s16], [sflag:$0x3], $0x80, s24, s19, $0xb8;
	[tilespmem:$0x1E000] =	vst v63  }
0x5a: {  	_ =	swait.ge [sflag:s17], $0x4000  }
0x5b: {  	[sflag:s17] =	ssyncset.done $0x0  }
0x5c: {  	[sflag:s17] =	ssyncadd.s32 $0xFFFFC000  }
0x5d: {  	_ =	swait.ge [sflag:s22], $0x4000  }
.Ltmp1:
0x5e: {  	[sflag:s22] =	ssyncset.done $0x0;
	(pc) =	sbr.rel @p0 .LBB2_4-.Ltmp1, $4  }
0x5f: {  	s24 =	sadd.s32 $0x1080, s25;
	[sflag:s22] =	ssyncadd.s32 $0xFFFFC000  }
0x60: {  	[spmem:s1] =	stream.indirect.scatter.add.f32 [tilespmem:s20], [sflag:$0x3], $0x80, s24, s19, $0xb8;
	[tilespmem:$0x1E000] =	vst v63  }
0x61: {  	_ =	swait.ge [sflag:s17], $0x4000  }
0x62: {  	s24 =	smov.u32 s26;
	[sflag:s17] =	ssyncset.done $0x0  }
0x63: {  	s23 =	sshra.s32 s23, $0x2;
	[sflag:s17] =	ssyncadd.s32 $0xFFFFC000  }
0x64: {  	[tilespmem:s16], [sflag:$0x1] =	stream.indirect.gather [hbm4b:s4+s19], $0x80, s23, s19, $0xb8;
	[tilespmem:$0x1E000] =	vst v63  }
0x65: {  	s24 =	sadd.s32 $0x80, s23  }
0x66: {  	[tilespmem:s20], [sflag:$0x2] =	stream.indirect.gather [hbm4b:s4+s19], $0x80, s24, s19, $0xb8;
	[tilespmem:$0x1E000] =	vst v63  }
0x67: {  	_ =	swait.ge [sflag:s21], $0x4000  }
0x68: {  	[sflag:s21] =	ssyncset.done $0x0  }
0x69: {  	s25 =	sadd.s32 $0x1000, s23;
	[sflag:s21] =	ssyncadd.s32 $0xFFFFC000  }
0x6a: {  	[spmem:s1] =	stream.indirect.scatter.add.f32 [tilespmem:s16], [sflag:$0x3], $0x80, s25, s19, $0xb8;
	[tilespmem:$0x1E000] =	vst v63  }
0x6b: {  	_ =	swait.ge [sflag:s17], $0x4000  }
0x6c: {  	[sflag:s17] =	ssyncset.done $0x0  }
0x6d: {  	[sflag:s17] =	ssyncadd.s32 $0xFFFFC000  }
0x6e: {  	_ =	swait.ge [sflag:s22], $0x4000  }
0x6f: {  	[sflag:s22] =	ssyncset.done $0x0  }
0x70: {  	s23 =	sadd.s32 $0x1080, s23;
	[sflag:s22] =	ssyncadd.s32 $0xFFFFC000  }
0x71: {  	[spmem:s1] =	stream.indirect.scatter.add.f32 [tilespmem:s20], [sflag:$0x3], $0x80, s23, s19, $0xb8;
	[tilespmem:$0x1E000] =	vst v63  }
0x72: {  	_ =	swait.ge [sflag:s17], $0x4000  }
0x73: {  	[sflag:s17] =	ssyncset.done $0x0  }
0x74: {  	s26 =	simm.s32 $0x0;
	[sflag:s17] =	ssyncadd.s32 $0xFFFFC000  }
0x75: {  	[tilespmem:s26], [sflag:$0x3] =	stream.linear.gather [hbm4b:s14+s26], $0x1000, $0x38;
	[tilespmem:$0x1E000] =	vst v63  }
0x76: {  	_ =	swait.ge [sflag:s17], $0x1000  }
0x77: {  	[sflag:s17] =	ssyncset.done $0x0  }
0x78: {  	[sflag:s17] =	ssyncadd.s32 $0xFFFFF000  }
0x79: {  	[tilespmem:s18], [sflag:$0x3] =	stream.linear.gather [hbm4b:s15+s26], $0x1000, $0x38;
	[tilespmem:$0x1E000] =	vst v63  }
0x7a: {  	_ =	swait.ge [sflag:s17], $0x1000  }
0x7b: {  	[sflag:s17] =	ssyncset.done $0x0  }
0x7c: {  	s28 =	simm.s32 $0x0;
	[sflag:s17] =	ssyncadd.s32 $0xFFFFF000  }
0x7d: {  	[tilespmem:s16], [sflag:$0x1] =	stream.indirect.gather [hbm4b:s4+s19], $0x80, s28, s19, $0xb8;
	[tilespmem:$0x1E000] =	vst v63  }
0x7e: {  	s29 =	simm.s32 $0x80  }
0x7f: {  	[tilespmem:s20], [sflag:$0x2] =	stream.indirect.gather [hbm4b:s4+s19], $0x80, s29, s19, $0xb8;
	[tilespmem:$0x1E000] =	vst v63  }
0x80: {  	_ =	swait.ge [sflag:s21], $0x4000  }
0x81: {  	[sflag:s21] =	ssyncset.done $0x0  }
0x82: {  	s30 =	simm.s32 $0x1000;
	[sflag:s21] =	ssyncadd.s32 $0xFFFFC000  }
0x83: {  	[spmem:s1] =	stream.indirect.scatter.add.f32 [tilespmem:s16], [sflag:$0x3], $0x80, s30, s19, $0xb8;
	[tilespmem:$0x1E000] =	vst v63  }
0x84: {  	_ =	swait.ge [sflag:s17], $0x4000  }
0x85: {  	[sflag:s17] =	ssyncset.done $0x0  }
0x86: {  	[sflag:s17] =	ssyncadd.s32 $0xFFFFC000  }
0x87: {  	_ =	swait.ge [sflag:s22], $0x4000  }
0x88: {  	[sflag:s22] =	ssyncset.done $0x0  }
0x89: {  	s31 =	simm.s32 $0x1080;
	[sflag:s22] =	ssyncadd.s32 $0xFFFFC000  }
0x8a: {  	[spmem:s1] =	stream.indirect.scatter.add.f32 [tilespmem:s20], [sflag:$0x3], $0x80, s31, s19, $0xb8;
	[tilespmem:$0x1E000] =	vst v63  }
0x8b: {  	_ =	swait.ge [sflag:s17], $0x4000  }
0x8c: {  	s24 =	simm.s32 $0x800;
	s23 =	simm.s32 $0x400;
	[sflag:s17] =	ssyncset.done $0x0  }
.LBB2_6:
0x8d: {  	s25 =	sshra.s32 s23, $0x2  }
0x8e: {  	[sflag:s17] =	ssyncadd.s32 $0xFFFFC000;
	s23 =	smov.u32 s24;
	s26 =	sadd.s32 $0x400, s24  }
0x8f: {  	[tilespmem:s16], [sflag:$0x1] =	stream.indirect.gather [hbm4b:s4+s19], $0x80, s25, s19, $0xb8;
	[tilespmem:$0x1E000] =	vst v63  }
0x90: {  	p0 =	sne.s32 s24, $0x3C00;
	s24 =	sadd.s32 $0x80, s25  }
0x91: {  	[tilespmem:s20], [sflag:$0x2] =	stream.indirect.gather [hbm4b:s4+s19], $0x80, s24, s19, $0xb8;
	[tilespmem:$0x1E000] =	vst v63  }
0x92: {  	_ =	swait.ge [sflag:s21], $0x4000  }
0x93: {  	[sflag:s21] =	ssyncset.done $0x0  }
0x94: {  	s24 =	sadd.s32 $0x1000, s25;
	[sflag:s21] =	ssyncadd.s32 $0xFFFFC000  }
0x95: {  	[spmem:s1] =	stream.indirect.scatter.add.f32 [tilespmem:s16], [sflag:$0x3], $0x80, s24, s19, $0xb8;
	[tilespmem:$0x1E000] =	vst v63  }
0x96: {  	_ =	swait.ge [sflag:s17], $0x4000  }
0x97: {  	[sflag:s17] =	ssyncset.done $0x0  }
0x98: {  	[sflag:s17] =	ssyncadd.s32 $0xFFFFC000  }
0x99: {  	_ =	swait.ge [sflag:s22], $0x4000  }
.Ltmp2:
0x9a: {  	[sflag:s22] =	ssyncset.done $0x0;
	(pc) =	sbr.rel @p0 .LBB2_6-.Ltmp2, $4  }
0x9b: {  	s24 =	sadd.s32 $0x1080, s25;
	[sflag:s22] =	ssyncadd.s32 $0xFFFFC000  }
0x9c: {  	[spmem:s1] =	stream.indirect.scatter.add.f32 [tilespmem:s20], [sflag:$0x3], $0x80, s24, s19, $0xb8;
	[tilespmem:$0x1E000] =	vst v63  }
0x9d: {  	_ =	swait.ge [sflag:s17], $0x4000  }
0x9e: {  	s24 =	smov.u32 s26;
	[sflag:s17] =	ssyncset.done $0x0  }
0x9f: {  	s23 =	sshra.s32 s23, $0x2;
	[sflag:s17] =	ssyncadd.s32 $0xFFFFC000  }
0xa0: {  	[tilespmem:s16], [sflag:$0x1] =	stream.indirect.gather [hbm4b:s4+s19], $0x80, s23, s19, $0xb8;
	[tilespmem:$0x1E000] =	vst v63  }
0xa1: {  	s24 =	sadd.s32 $0x80, s23  }
0xa2: {  	[tilespmem:s20], [sflag:$0x2] =	stream.indirect.gather [hbm4b:s4+s19], $0x80, s24, s19, $0xb8;
	[tilespmem:$0x1E000] =	vst v63  }
0xa3: {  	_ =	swait.ge [sflag:s21], $0x4000  }
0xa4: {  	[sflag:s21] =	ssyncset.done $0x0  }
0xa5: {  	s29 =	sadd.s32 $0x1000, s23;
	[sflag:s21] =	ssyncadd.s32 $0xFFFFC000  }
0xa6: {  	[spmem:s1] =	stream.indirect.scatter.add.f32 [tilespmem:s16], [sflag:$0x3], $0x80, s29, s19, $0xb8;
	[tilespmem:$0x1E000] =	vst v63  }
0xa7: {  	_ =	swait.ge [sflag:s17], $0x4000  }
0xa8: {  	[sflag:s17] =	ssyncset.done $0x0  }
0xa9: {  	[sflag:s17] =	ssyncadd.s32 $0xFFFFC000  }
0xaa: {  	_ =	swait.ge [sflag:s22], $0x4000  }
0xab: {  	[sflag:s22] =	ssyncset.done $0x0  }
0xac: {  	s23 =	sadd.s32 $0x1080, s23;
	[sflag:s22] =	ssyncadd.s32 $0xFFFFC000  }
0xad: {  	[spmem:s1] =	stream.indirect.scatter.add.f32 [tilespmem:s20], [sflag:$0x3], $0x80, s23, s19, $0xb8;
	[tilespmem:$0x1E000] =	vst v63  }
0xae: {  	_ =	swait.ge [sflag:s17], $0x4000  }
0xaf: {  	s30 =	sshll.u32 s2, $0x6;
	s3 =	sadd.s32 $0x1, s3;
	[sflag:s17] =	ssyncset.done $0x0  }
0xb0: {  	s31 =	sshrl.u32 s5, $0x3;
	p0 =	sne.s32 s3, s11;
	[sflag:s17] =	ssyncadd.s32 $0xFFFFC000  }
.Ltmp3:
0xb1: {  	s23 =	sor.u32 $0x1C03, s30;
	[bflag:$0x0] =	sbarrier.arrive $0xFFFF;
	(pc) =	sbr.rel @p0 .LBB2_1-.Ltmp3, $4  }
0xb2: {  	[hbm:s10], [sflag:s23] =	dma.local [spmem:s31], $0x2800  }
0xb3: {  	_ =	swait.ge [sflag:s17], $0x2800  }
0xb4: {  	[sflag:s17] =	ssyncset.done $0x0  }
0xb5: {  	[sflag:s17] =	ssyncadd.s32 $0xFFFFD800  }
0xb6: {  	_ =	sfence.sel $0x180000  }
0xb7: {  	[bflag:$0x0] =	sbarrier.arrive $0xFFFF  }
0xb8: {  	p0 =	sne.s32 s2, $0x0;
	_ =	strace $0x9000004D  }
0xb9: {  	s0 =	sadd.s32 @!p0 $0x100000, s0;
	[bflag:$0x2] =	sbarrier.arrive $0xFFFF  }
0xba: {  	[sflag:s0] =	ssyncadd.tile.s32 @!p0 $0x1;
	_ =	shalt  }
.Lfunc_end2:
_tile_overlayer_lowered:
.L_overlay_start_2:
0xbb: {  	(tag) =	ssettag $0x2  }
0xbc: {  	s0 =	rddreg [dreg:$0x0];
	s2 =	stileid.u32  }
0xbd: {  	s1 =	rddreg [dreg:$0x1];
	p0 =	sne.s32 s2, $0x0  }
0xbe: {  	s3 =	rddreg [dreg:$0x2];
	[bflag:$0x3] =	sbarrier.arrive $0xFFFF;
	s2 =	simm.s32 @!p0 $0x1C03  }
0xbf: {  	[timem:s3], [sflag:s2] =	dma.local @!p0 [hbm:s0], s1  }
0xc0: {  	s0 =	simm.s32 @!p0 $0x3  }
0xc1: {  	_ =	swait.ge @!p0 [sflag:s0], s1  }
0xc2: {  	s1 =	ssub.s32 @!p0 $0x0, s1;
	[sflag:s0] =	ssyncset.done @!p0 $0x0  }
0xc3: {  	[sflag:s0] =	ssyncadd.s32 @!p0 s1  }
0xc4: {  	[bflag:$0x3] =	sbarrier.arrive $0xFFFF  }
0xc5: {  	_ =	shalt  }

// kernel: kernel.8.cloned.1.call-start
scs
__scs_entry_jumppad:
0x0: {  	(pc) =	sbr.rel $0x88, $3  }
0x1: {  	(tag) =	ssettag $0x0;
	lr =	simm.s32 $0x1  }
0x2: {  	[smem:$0x3F97] =	sst lr;
	_ =	strace $0xD0000000  }
0x3: {  	_ = 	snop  }
0x4: {  	_ = 	snop  }
0x5: {  	_ = 	snop  }
0x6: {  	_ = 	snop  }
0x7: {  	_ = 	snop  }
__scs_overlays_trampoline_lowered:
0x8: {  	[smem:$0x3FA6] =	sst s0  }
0x9: {  	[smem:$0x3FA7] =	sst s1  }
0xa: {  	[smem:$0x3FA8] =	sst s2  }
0xb: {  	[smem:$0x3FA9] =	sst s3  }
0xc: {  	[smem:$0x3FAA] =	sst s4  }
0xd: {  	[smem:$0x3FAB] =	sst s5  }
0xe: {  	[smem:$0x3FAC] =	sst s6  }
0xf: {  	[smem:$0x3FAD] =	sst s7  }
0x10: {  	[smem:$0x3FAE] =	sst s8  }
0x11: {  	[smem:$0x3FAF] =	sst s9;
	s0 =	simm.s32 @!p0 $0x0  }
0x12: {  	s1 =	sld [smem:$0x3F95];
	s0 =	simm.s32 @p0 $0x1  }
0x13: {  	[smem:$0x3FB0] =	sst s0;
	s0 =	simm.s32 @!p1 $0x0  }
0x14: {  	s2 =	sld [smem:$0x3F94];
	s0 =	simm.s32 @p1 $0x1  }
0x15: {  	[smem:$0x3FB1] =	sst s0;
	s0 =	simm.s32 @!p2 $0x0  }
0x16: {  	s3 =	sld [smem:$0x3FDB];
	s0 =	simm.s32 @p2 $0x1  }
0x17: {  	s4 =	simm.s32 $0x1BF5;
	[smem:$0x3FB3] =	sst s0  }
0x18: {  	s0 =	sld [smem:$0x3F96];
	_ =	swait.ge [sflag:s4], $0x0  }
0x19: {  	s7 =	sld [smem:$0x3F97]  }
0x1a: {  	s8 =	sadd.s32 $0xFFFFE003, lr  }
0x1b: {  	s9 =	sadd.s32 $0xFFFFFEF7, lr;
	s5 =	simm.s32 $0xFFFFFFFF;
	p2 =	slt.u32 s8, $0xFFFFF086  }
0x1c: {  	p1 =	slt.u32 s9, $0xF7A;
	s5 =	simm.s32 @!p2 $0x0  }
0x1d: {  	s5 =	simm.s32 @p1 $0x1;
	p0 =	seq.s32 s7, s2  }
0x1e: {  	s7 =	smul.u32 @!p0 $0xF7A, s2;
	p2 =	seq.s32 @!p0 s5, $0x0  }
0x1f: {  	s9 =	smul.u32 $0xF7A, s1;
	s8 =	simm.s32 @!p0 $0x1BF5;
	p2 =	por !p2, p0  }
0x20: {  	[sflag:s8] =	ssyncset.s32 @!p0 $0xFFFFF086;
	s6 =	sadd.s32 @!p0 s3, s7;
	s7 =	simm.s32 @!p0 $0x108  }
0x21: {  	s3 =	sadd.s32 s3, s9;
	s6 =	sadd.s32 @!p0 $0x88, s6;
	s7 =	simm.s32 @p2 $0x1082  }
0x22: {  	[simem:s7], [sflag:s8] =	dma.local @!p0 [hbm:s6], $0xF7A  }
0x23: {  	s9 =	sor.u32 $0xD0000000, s2;
	s6 =	simm.s32 $0x108;
	_ =	swait.ge @!p0 [sflag:s8], $0x0  }
0x24: {  	s3 =	sadd.s32 $0x88, s3;
	s6 =	simm.s32 @!p1 $0x1082;
	[sflag:s4] =	ssyncset.s32 $0xFFFFF086  }
0x25: {  	[simem:s6], [sflag:s4] =	dma.local [hbm:s3], $0xF7A  }
0x26: {  	[smem:$0x3F97] =	sst s1;
	(tag) =	ssettag s2;
	_ =	strace s9  }
0x27: {  	s1 =	sld [smem:$0x3FA7]  }
0x28: {  	s2 =	sld [smem:$0x3FA8]  }
0x29: {  	s4 =	sld [smem:$0x3FAA]  }
0x2a: {  	p0 =	seq.s32 s5, $0x0;
	s5 =	sld [smem:$0x3FAB]  }
0x2b: {  	s6 =	sld [smem:$0x3FAC]  }
0x2c: {  	s7 =	sld [smem:$0x3FAD]  }
0x2d: {  	s3 =	simm.s32 $0x108;
	s8 =	sld [smem:$0x3FAE]  }
0x2e: {  	s3 =	simm.s32 @!p0 $0x1082;
	s9 =	sld [smem:$0x3FAF]  }
0x2f: {  	lr =	sadd.s32 s0, s3;
	s0 =	sld [smem:$0x3FA6]  }
0x30: {  	s3 =	sld [smem:$0x3FA9]  }
0x31: {  	[smem:$0x3FB2] =	sst s10  }
0x32: {  	s10 =	sld [smem:$0x3FB0];
	_ =	sdelay $0x3  }
0x33: {  	p0 =	seq.s32 s10, $0x1;
	s10 =	sld [smem:$0x3FB2];
	_ =	sdelay $0x3  }
0x34: {  	[smem:$0x3FB2] =	sst s10  }
0x35: {  	s10 =	sld [smem:$0x3FB1];
	_ =	sdelay $0x3  }
0x36: {  	p1 =	seq.s32 s10, $0x1;
	s10 =	sld [smem:$0x3FB2];
	_ =	sdelay $0x3  }
0x37: {  	[smem:$0x3FB2] =	sst s10  }
0x38: {  	s10 =	sld [smem:$0x3FB3]  }
0x39: {  	_ = 	snop;
	(pc) =	sbr.ind lr, $3  }
0x3a: {  	_ = 	snop  }
0x3b: {  	_ = 	snop  }
0x3c: {  	p2 =	seq.s32 s10, $0x1;
	s10 =	sld [smem:$0x3FB2]  }
0x3d: {  	_ =	shalt  }
0x3e: {  	_ =	shalt  }
0x3f: {  	_ =	shalt  }
0x40: {  	_ =	shalt  }
0x41: {  	_ =	shalt  }
0x42: {  	_ =	shalt  }
0x43: {  	_ =	shalt  }
0x44: {  	_ =	shalt  }
0x45: {  	_ =	shalt  }
0x46: {  	_ =	shalt  }
0x47: {  	_ =	shalt  }
0x48: {  	_ =	shalt  }
0x49: {  	_ =	shalt  }
0x4a: {  	_ =	shalt  }
0x4b: {  	_ =	shalt  }
0x4c: {  	_ =	shalt  }
0x4d: {  	_ =	shalt  }
0x4e: {  	_ =	shalt  }
0x4f: {  	_ =	shalt  }
0x50: {  	_ =	shalt  }
0x51: {  	_ =	shalt  }
0x52: {  	_ =	shalt  }
0x53: {  	_ =	shalt  }
0x54: {  	_ =	shalt  }
0x55: {  	_ =	shalt  }
0x56: {  	_ =	shalt  }
0x57: {  	_ =	shalt  }
0x58: {  	_ =	shalt  }
0x59: {  	_ =	shalt  }
0x5a: {  	_ =	shalt  }
0x5b: {  	_ =	shalt  }
0x5c: {  	_ =	shalt  }
0x5d: {  	_ =	shalt  }
0x5e: {  	_ =	shalt  }
0x5f: {  	_ =	shalt  }
0x60: {  	_ =	shalt  }
0x61: {  	_ =	shalt  }
0x62: {  	_ =	shalt  }
0x63: {  	_ =	shalt  }
0x64: {  	_ =	shalt  }
0x65: {  	_ =	shalt  }
0x66: {  	_ =	shalt  }
0x67: {  	_ =	shalt  }
0x68: {  	_ =	shalt  }
0x69: {  	_ =	shalt  }
0x6a: {  	_ =	shalt  }
0x6b: {  	_ =	shalt  }
0x6c: {  	_ =	shalt  }
0x6d: {  	_ =	shalt  }
0x6e: {  	_ =	shalt  }
0x6f: {  	_ =	shalt  }
0x70: {  	_ =	shalt  }
0x71: {  	_ =	shalt  }
0x72: {  	_ =	shalt  }
0x73: {  	_ =	shalt  }
0x74: {  	_ =	shalt  }
0x75: {  	_ =	shalt  }
0x76: {  	_ =	shalt  }
0x77: {  	_ =	shalt  }
0x78: {  	_ =	shalt  }
0x79: {  	_ =	shalt  }
0x7a: {  	_ =	shalt  }
0x7b: {  	_ =	shalt  }
0x7c: {  	_ =	shalt  }
0x7d: {  	_ =	shalt  }
0x7e: {  	_ =	shalt  }
0x7f: {  	_ =	shalt  }
0x80: {  	_ =	shalt  }
0x81: {  	_ =	shalt  }
0x82: {  	_ =	shalt  }
0x83: {  	_ =	shalt  }
0x84: {  	_ =	shalt  }
0x85: {  	_ =	shalt  }
0x86: {  	_ =	shalt  }
0x87: {  	_ =	shalt  }
.Lfunc_end0:
.L_simem_size_0:
called_computation_lowered:
.L_overlay_start_0:
0x88: {  	s2 =	sld [smem:$0x3FD9]  }
0x89: {  	s3 =	sld [smem:$0x3FFE];
	_ =	sdelay $0x1  }
0x8a: {  	s1 =	srdreg.scid  }
0x8b: {  	s0 =	sand.u32 $0x1, s1  }
0x8c: {  	s16 =	sshll.u32 s0, $0xA;
	s2 =	sadd.s32 s3, s2  }
0x8d: {  	s2 =	sadd.s32 s2, s16  }
0x8e: {  	[smem:$0x3FBE] =	sst s2  }
0x8f: {  	_ = 	snop  }
0x90: {  	(tm) =	ssettm $0x1  }
0x91: {  	s17 =	sld [smem:$0x3FFB];
	_ =	sdelay $0x3  }
0x92: {  	_ =	strace s17  }
0x93: {  	s2 =	sld [smem:$0x3FFC];
	_ =	sdelay $0x3  }
0x94: {  	_ =	strace s2  }
0x95: {  	s2 =	sld [smem:$0x3FFD];
	_ =	sdelay $0x3  }
0x96: {  	_ =	strace s2  }
0x97: {  	_ =	strace $0x8FFFFFFF  }
0x98: {  	s18 =	sld [smem:$0x3FDB];
	_ =	sdelay $0x1  }
0x99: {  	s19 =	simm.s32 $_scs_section_size  }
0x9a: {  	s4 =	simm.s32 $_size__tile_overlayer_lowered;
	s5 =	simm.s32 $_tile_overlayer_lowered  }
0x9b: {  	s22 =	simm.s32 $0x1BFF;
	s21 =	sshll.u32 s5, $0x1;
	s2 =	sadd.s32 s19, s18  }
0x9c: {  	s6 =	simm.s32 $0x0;
	s20 =	sshll.u32 s4, $0x1;
	s4 =	sadd.s32 s21, s2  }
0x9d: {  	[timem:s6], [sflag:s22] =	dma.local [hbm:s4], s20  }
0x9e: {  	_ =	swait.ge [sflag:s22], s20  }
0x9f: {  	s3 =	ssub.s32 $0x0, s20;
	[sflag:s22] =	ssyncset.done $0x0  }
0xa0: {  	[sflag:s22] =	ssyncadd.s32 s3;
	_ =	sdelay $0x1  }
0xa1: {  	s23 =	simm.s32 $0x1B8B  }
0xa2: {  	_ =	swait.ge [sflag:s23], $0x1  }
0xa3: {  	[sflag:s23] =	ssyncset.done $0x0  }
0xa4: {  	s25 =	simm.s32 $0x1B8E;
	s24 =	sld [smem:$0x3FFE];
	[sflag:s23] =	ssyncadd.s32 $0xFFFFFFFF  }
0xa5: {  	s26 =	simm.s32 $execute0_lowered;
	[smem:$0x3FD2] =	sst s25  }
0xa6: {  	s4 =	sshll.u32 s26, $0x1;
	_ =	strace $0x80000046;
	[dreg:$0x1] =	wrdreg $0xFFFFFFFF  }
0xa7: {  	s28 =	simm.s32 $_size_execute0_lowered;
	s2 =	sadd.s32 s2, s4;
	[dreg:$0x0] =	wrdreg $0x0  }
0xa8: {  	s4 =	sshll.u32 s28, $0x1;
	[dreg:$0x2] =	wrdreg s2  }
0xa9: {  	[dreg:$0x3] =	wrdreg s4  }
0xaa: {  	[dreg:$0x4] =	wrdreg $0xC0  }
0xab: {  	_ =	task [dreg:s6], $0x5FFFF  }
0xac: {  	[dreg:$0x1] =	wrdreg $0xFFFFFFFF  }
0xad: {  	[dreg:$0x0] =	wrdreg $0x60  }
0xae: {  	[dreg:$0x2] =	wrdreg s24  }
0xaf: {  	[dreg:$0x3] =	wrdreg $0x9  }
0xb0: {  	_ =	task.clear_ibuf [dreg:s6], $0x4FFFF;
	_ =	strace $0x90000046  }
0xb1: {  	s29 =	simm.s32 $0x9;
	_ =	strace $0x80000048  }
0xb2: {  	_ =	swait.ge [sflag:s29], $0x1  }
0xb3: {  	[sflag:s29] =	ssyncadd.s32 $0xFFFFFFFF  }
0xb4: {  	_ =	strace $0x90000048  }
0xb5: {  	_ =	sfence  }
0xb6: {  	s30 =	sld [smem:$0x0];
	_ =	sdelay $0x2  }
0xb7: {  	s31 =	sshll.u32 s1, $0xD;
	s1 =	sshrl.u32 s1, $0x2  }
0xb8: {  	s3 =	sand.u32 $0x4000, s31;
	s1 =	sadd.s32 s1, s30  }
0xb9: {  	s0 =	sor.u32 s3, s0;
	s1 =	sshll.u32 s1, $0x11  }
0xba: {  	s0 =	sor.u32 s1, s0  }
0xbb: {  	s0 =	sadd.s32 $0x8F2B, s0  }
0xbc: {  	[sflag:s0] =	ssyncadd.remote.s32 $0x1  }
0xbd: {  	_ =	sfence.sel $0xFFFF  }
0xbe: {  	[dreg:$0x0] =	wrdreg $0xFFFFFFFF;
	(pc) =	sbr.abs _section_cstart, $3  }
0xbf: {  	[dreg:$0x1] =	wrdreg $0xFFFFFFFF  }
0xc0: {  	_ =	task.clear_ibuf [dreg:s6], $0x2FFFF;
	_ =	strace $0x9FFFFFFF  }
0xc1: {  	(tm) =	ssettm $0x7FFFFFFF  }
tec
execute0_lowered:
.L_overlay_start_1:
0x0: {  	(tag) =	ssettag $0x1  }
0x1: {  	s1 =	srdreg.scid;
	s0 =	stileid.u32  }
0x2: {  	s4 =	rddreg [dreg:$0x0];
	s3 =	sand.u32 $0x1, s1;
	s30 =	sshll.u32 s0, $0x1  }
0x3: {  	s2 =	simm.s32 $0x0;
	s8 =	simm.s32 $0x0;
	s5 =	sor.u32 s3, s30  }
0x4: {  	s1 =	rddreg [dreg:$0x1];
	s3 =	ssub.s32 $0x2, s3;
	s6 =	smul.u32 $0x500, s5  }
0x5: {  	[smem:$0x7FF] =	sst s2;
	s5 =	smul.u32 $0x2800, s5;
	s7 =	sshrl.u32 s3, $0x1  }
0x6: {  	_ =	strace $0x80000047;
	s31 =	ssub.s32 s3, s7;
	s7 =	simm.s32 $0x2800  }
0x7: {  	s6 =	sadd.s32 s6, s4;
	s4 =	sadd.s32 s5, s4;
	s5 =	smax.u32 s31, $0x1  }
0x8: {  	v0 =	vimm.f32 $0.0e+00;
	v1 =	vimm.f32 $1.000000000e+00;
	s3 =	sadd.s32 $0x3000, s6;
	s4 =	sadd.s32 $0xD000, s4;
	s6 =	simm.s32 $0x1  }
.LBB2_1:
0x9: {  	s9 =	simm.s32 $0x200;
	s10 =	simm.s32 $0x0  }
.LBB2_2:
0xa: {  	p0 =	sne.s32 s9, $0x4FE00;
	[tilespmem:s10+$0x2800] =	vst v0;
	s10 =	smov.u32 s9;
	s9 =	sadd.s32 $0x200, s9  }
.Ltmp0:
0xb: {  	(pc) =	sbr.rel @p0 .LBB2_2-.Ltmp0, $2  }
0xc: {  	_ =	sdelay $0x2  }
0xd: {  	s10 =	sshra.s32 s10, $0x2  }
0xe: {  	[tilespmem:s10+$0x2800] =	vst v0  }
0xf: {  	[tilespmem:s2], [sflag:$0x1] =	stream.linear.gather [hbm4b:s3+s2], $0x2800, $0x38;
	[tilespmem:$0x16800] =	vst v63  }
0x10: {  	_ =	swait.ge [sflag:s6], $0x2800  }
0x11: {  	[sflag:s6] =	ssyncset.done $0x0  }
0x12: {  	s9 =	simm.s32 $0x1C0;
	[sflag:s6] =	ssyncadd.s32 $0xFFFFD800  }
.LBB2_4:
0x13: {  	s10 =	sshra.s32 s9, $0x2  }
0x14: {  	v2 =	vld [tilespmem:s10+$0xFFFFFF90];
	_ =	sdelay $0x4  }
0x15: {  	v3 =	vshll.u32 v2, $0x3  }
0x16: {  	v2 =	vand.u32 $0xF, v2;
	v3 =	vand.u32 $0xFFFFFF80, v3  }
0x17: {  	v2 =	vor.u32 v2, v3;
	_ =	sdelay $0x4  }
0x18: {  	[tilespmem:v2+s7+$0x0] =	vst.idx.add.f32.msk $0xffff, v1  }
0x19: {  	v2 =	vld [tilespmem:s10+$0xFFFFFFA0];
	_ =	sdelay $0x4  }
0x1a: {  	v3 =	vshll.u32 v2, $0x3  }
0x1b: {  	v2 =	vand.u32 $0xF, v2;
	v3 =	vand.u32 $0xFFFFFF80, v3  }
0x1c: {  	v2 =	vor.u32 v2, v3;
	_ =	sdelay $0x4  }
0x1d: {  	[tilespmem:v2+s7+$0x0] =	vst.idx.add.f32.msk $0xffff, v1  }
0x1e: {  	v2 =	vld [tilespmem:s10+$0xFFFFFFB0];
	_ =	sdelay $0x4  }
0x1f: {  	v3 =	vshll.u32 v2, $0x3  }
0x20: {  	v2 =	vand.u32 $0xF, v2;
	v3 =	vand.u32 $0xFFFFFF80, v3  }
0x21: {  	v2 =	vor.u32 v2, v3;
	_ =	sdelay $0x4  }
0x22: {  	[tilespmem:v2+s7+$0x0] =	vst.idx.add.f32.msk $0xffff, v1  }
0x23: {  	v2 =	vld [tilespmem:s10+$0xFFFFFFC0];
	_ =	sdelay $0x4  }
0x24: {  	v3 =	vshll.u32 v2, $0x3  }
0x25: {  	v2 =	vand.u32 $0xF, v2;
	v3 =	vand.u32 $0xFFFFFF80, v3  }
0x26: {  	v2 =	vor.u32 v2, v3;
	_ =	sdelay $0x4  }
0x27: {  	[tilespmem:v2+s7+$0x0] =	vst.idx.add.f32.msk $0xffff, v1  }
0x28: {  	v2 =	vld [tilespmem:s10+$0xFFFFFFD0];
	_ =	sdelay $0x4  }
0x29: {  	v3 =	vshll.u32 v2, $0x3  }
0x2a: {  	v2 =	vand.u32 $0xF, v2;
	v3 =	vand.u32 $0xFFFFFF80, v3  }
0x2b: {  	v2 =	vor.u32 v2, v3;
	_ =	sdelay $0x4  }
0x2c: {  	[tilespmem:v2+s7+$0x0] =	vst.idx.add.f32.msk $0xffff, v1  }
0x2d: {  	v2 =	vld [tilespmem:s10+$0xFFFFFFE0];
	_ =	sdelay $0x4  }
0x2e: {  	v3 =	vshll.u32 v2, $0x3  }
0x2f: {  	v2 =	vand.u32 $0xF, v2;
	v3 =	vand.u32 $0xFFFFFF80, v3  }
0x30: {  	v2 =	vor.u32 v2, v3;
	_ =	sdelay $0x4  }
0x31: {  	[tilespmem:v2+s7+$0x0] =	vst.idx.add.f32.msk $0xffff, v1  }
0x32: {  	v2 =	vld [tilespmem:s10+$0xFFFFFFF0];
	_ =	sdelay $0x4  }
0x33: {  	v3 =	vshll.u32 v2, $0x3  }
0x34: {  	v2 =	vand.u32 $0xF, v2;
	v3 =	vand.u32 $0xFFFFFF80, v3  }
0x35: {  	v2 =	vor.u32 v2, v3;
	_ =	sdelay $0x4  }
0x36: {  	[tilespmem:v2+s7+$0x0] =	vst.idx.add.f32.msk $0xffff, v1  }
0x37: {  	v2 =	vld [tilespmem:s10+$0x0];
	_ =	sdelay $0x4  }
0x38: {  	v3 =	vshll.u32 v2, $0x3  }
0x39: {  	v2 =	vand.u32 $0xF, v2;
	v3 =	vand.u32 $0xFFFFFF80, v3  }
0x3a: {  	p0 =	sne.s32 s9, $0x9FC0;
	v2 =	vor.u32 v2, v3  }
.Ltmp1:
0x3b: {  	_ = 	snop;
	(pc) =	sbr.rel @p0 .LBB2_4-.Ltmp1, $2  }
0x3c: {  	_ =	sdelay $0x2  }
0x3d: {  	s9 =	sadd.s32 $0x200, s9;
	[tilespmem:v2+s7+$0x0] =	vst.idx.add.f32.msk $0xffff, v1  }
0x3e: {  	s8 =	sadd.s32 $0x1, s8  }
0x3f: {  	p0 =	sne.s32 s8, s5  }
.Ltmp2:
0x40: {  	_ = 	snop;
	(pc) =	sbr.rel @p0 .LBB2_1-.Ltmp2, $4  }
0x41: {  	[hbm4b:s4+s2] =	stream.linear.scatter [tilespmem:s7], [sflag:$0x1], $0x14000, $0x38;
	[tilespmem:$0x16800] =	vst v63  }
0x42: {  	_ =	swait.ge [sflag:s6], $0x14000  }
0x43: {  	[sflag:s6] =	ssyncset.done $0x0  }
0x44: {  	[sflag:s6] =	ssyncadd.s32 $0xFFFEC000  }
0x45: {  	_ =	sfence.sel $0x180000  }
0x46: {  	[bflag:$0x0] =	sbarrier.arrive $0xFFFF  }
0x47: {  	p0 =	sne.s32 s0, $0x0;
	_ =	strace $0x90000047  }
0x48: {  	s0 =	sadd.s32 @!p0 $0x100000, s1;
	[bflag:$0x2] =	sbarrier.arrive $0xFFFF  }
0x49: {  	[sflag:s0] =	ssyncadd.tile.s32 @!p0 $0x1;
	_ =	shalt  }
.Lfunc_end2:
_tile_overlayer_lowered:
.L_overlay_start_2:
0x4a: {  	(tag) =	ssettag $0x2  }
0x4b: {  	s0 =	rddreg [dreg:$0x0];
	s2 =	stileid.u32  }
0x4c: {  	s1 =	rddreg [dreg:$0x1];
	p0 =	sne.s32 s2, $0x0  }
0x4d: {  	s3 =	rddreg [dreg:$0x2];
	[bflag:$0x3] =	sbarrier.arrive $0xFFFF;
	s2 =	simm.s32 @!p0 $0x1C01  }
0x4e: {  	[timem:s3], [sflag:s2] =	dma.local @!p0 [hbm:s0], s1  }
0x4f: {  	s0 =	simm.s32 @!p0 $0x1  }
0x50: {  	_ =	swait.ge @!p0 [sflag:s0], s1  }
0x51: {  	s1 =	ssub.s32 @!p0 $0x0, s1;
	[sflag:s0] =	ssyncset.done @!p0 $0x0  }
0x52: {  	[sflag:s0] =	ssyncadd.s32 @!p0 s1  }
0x53: {  	[bflag:$0x3] =	sbarrier.arrive $0xFFFF  }
0x54: {  	_ =	shalt  }

</sc_bundles>
